<compile_context>
chip_gen: v7x
topology: tpu7x:2x2x1
jax: 0.10.2.dev20260603
libtpu: 0.0.44.dev20260713+nightly
codegen_flags: <defaults>
</compile_context>

<pallas_src>
import functools

import jax
import jax.numpy as jnp
from jax import lax
from jax.experimental import pallas as pl
from jax.experimental.pallas import tpu as pltpu
from jax.experimental.pallas import tpu_sc as plsc

N = 10000
NP = 10240
E = 320000
NC = 2
NS = 16
NW = NC * NS
EPW = E // NW
C = 200
K = EPW // C
RPT = NP // NS

_mesh = plsc.VectorSubcoreMesh(core_axis_name="c", subcore_axis_name="s")


NBUF = 5
HALF = 2
PAIRS = K // NBUF


def _make_edge_pass(width):

  @functools.partial(
      pl.kernel,
      mesh=_mesh,
      out_type=jax.ShapeDtypeStruct((NC, NP, width), jnp.float32),
      scratch_types=[
          pltpu.VMEM((K, C), jnp.int32),
          pltpu.VMEM((K, C), jnp.int32),
      ] + [pltpu.VMEM((C, width), jnp.float32) for _ in range(NBUF)]
        + [pltpu.VMEM_SHARED((NP, width), jnp.float32)]
        + [pltpu.SemaphoreType.DMA for _ in range(2 * NBUF)],
      compiler_params=pltpu.CompilerParams(use_tc_tiling_on_sc=False),
  )
  def edge_pass(y_hbm, src_hbm, dst_hbm, z_hbm, o_hbm,
                dst_v, src_v, *rest):
    rows = rest[:NBUF]
    acc = rest[NBUF]
    gsem = rest[NBUF + 1:NBUF + 1 + NBUF]
    ssem = rest[NBUF + 1 + NBUF:]

    class _Op:
      def __init__(self, src, dst, sem, add=False):
        self.args, self.add = (src, dst, sem), add

      def start(self):
        pltpu.async_copy(*self.args, add=self.add)

      def wait(self):
        pltpu.make_async_copy(*self.args).wait()

    def gath(j, b):
      return _Op(y_hbm.at[src_v.at[j]], rows[b], gsem[b])

    def scat(j, b):
      return _Op(rows[b], acc.at[dst_v.at[j]], ssem[b], add=True)

    c = lax.axis_index("c")
    s = lax.axis_index("s")
    w = c * NS + s
    pltpu.sync_copy(dst_hbm.at[w], dst_v)
    pltpu.sync_copy(src_hbm.at[w], src_v)
    r0 = s * RPT
    pltpu.sync_copy(z_hbm.at[pl.ds(r0, RPT)], acc.at[pl.ds(r0, RPT)])
    plsc.subcore_barrier()

    for b in range(HALF):
      gath(b, b).start()

    @pl.loop(0, PAIRS)
    def _(r):
      j0 = r * NBUF
      for b in range(NBUF):
        j = j0 + b
        gath(j, b).wait()
        scat(j, b).start()
        bn = (b + HALF) % NBUF
        if b < NBUF - HALF:
          @pl.when(r > 0)
          def _():
            scat(j + HALF - NBUF, bn).wait()

          gath(j + HALF, bn).start()
        else:
          @pl.when(j + HALF < K)
          def _():
            scat(j + HALF - NBUF, bn).wait()
            gath(j + HALF, bn).start()

    for b in range(NBUF):
      scat((PAIRS - 1) * NBUF + b, b).wait()

    plsc.subcore_barrier()
    pltpu.sync_copy(acc.at[pl.ds(r0, RPT)], o_hbm.at[c, pl.ds(r0, RPT)])

  return edge_pass


_edge64 = _make_edge_pass(64)
_edge16 = _make_edge_pass(16)


@functools.partial(
    pl.kernel,
    mesh=_mesh,
    out_type=jax.ShapeDtypeStruct((NC, NP, 16), jnp.float32),
    scratch_types=[
        pltpu.VMEM((K, C), jnp.int32),
        pltpu.VMEM((C, 16), jnp.float32),
        pltpu.VMEM_SHARED((NP, 16), jnp.float32),
        pltpu.SemaphoreType.DMA,
    ],
    compiler_params=pltpu.CompilerParams(use_tc_tiling_on_sc=False),
)
def _deg_pass(ones_hbm, dst_hbm, z_hbm, o_hbm, dst_v, ones_v, acc, sem):
  c = lax.axis_index("c")
  s = lax.axis_index("s")
  w = c * NS + s
  pltpu.sync_copy(dst_hbm.at[w], dst_v)
  pltpu.sync_copy(ones_hbm, ones_v)
  r0 = s * RPT
  pltpu.sync_copy(z_hbm.at[pl.ds(r0, RPT)], acc.at[pl.ds(r0, RPT)])
  plsc.subcore_barrier()

  LAG = 8

  @pl.loop(0, K)
  def _(j):
    pltpu.async_copy(ones_v, acc.at[dst_v.at[j]], sem, add=True)

    @pl.when(j >= LAG)
    def _():
      pltpu.make_async_copy(ones_v, acc.at[dst_v.at[j - LAG]], sem).wait()

  @pl.loop(K - LAG, K)
  def _(j):
    pltpu.make_async_copy(ones_v, acc.at[dst_v.at[j]], sem).wait()

  plsc.subcore_barrier()
  pltpu.sync_copy(acc.at[pl.ds(r0, RPT)], o_hbm.at[c, pl.ds(r0, RPT)])


_BLK = 1000
_GRID = N // _BLK


def _matmul_xw(x, W1):
  def body(x_ref, w_ref, o_ref):
    o_ref[...] = jnp.dot(x_ref[...], w_ref[...],
                         preferred_element_type=jnp.float32)

  return pl.pallas_call(
      body,
      grid=(_GRID,),
      in_specs=[
          pl.BlockSpec((_BLK, 128), lambda i: (i, 0)),
          pl.BlockSpec((128, 64), lambda i: (0, 0)),
      ],
      out_specs=pl.BlockSpec((_BLK, 64), lambda i: (i, 0)),
      out_shape=jax.ShapeDtypeStruct((N, 64), jnp.float32),
  )(x, W1)


def _scale_y1(dp, xw):
  def body(dp_ref, xw_ref, o_ref):
    deg = dp_ref[0, :, 0:1] + dp_ref[1, :, 0:1] + 1.0
    o_ref[...] = lax.rsqrt(deg) * xw_ref[...]

  return pl.pallas_call(
      body,
      grid=(_GRID,),
      in_specs=[
          pl.BlockSpec((2, _BLK, 16), lambda i: (0, i, 0)),
          pl.BlockSpec((_BLK, 64), lambda i: (i, 0)),
      ],
      out_specs=pl.BlockSpec((_BLK, 64), lambda i: (i, 0)),
      out_shape=jax.ShapeDtypeStruct((N, 64), jnp.float32),
  )(dp, xw)


def _layer2_prep(dp, p, y1, b1r, W2p):
  def body(dp_ref, p_ref, y1_ref, b1_ref, w2_ref, o_ref):
    deg = dp_ref[0, :, 0:1] + dp_ref[1, :, 0:1] + 1.0
    dis = lax.rsqrt(deg)
    h = jnp.maximum(
        dis * (p_ref[0] + p_ref[1] + y1_ref[...]) + b1_ref[...], 0.0)
    o_ref[...] = dis * jnp.dot(h, w2_ref[...],
                               preferred_element_type=jnp.float32)

  return pl.pallas_call(
      body,
      grid=(_GRID,),
      in_specs=[
          pl.BlockSpec((2, _BLK, 16), lambda i: (0, i, 0)),
          pl.BlockSpec((2, _BLK, 64), lambda i: (0, i, 0)),
          pl.BlockSpec((_BLK, 64), lambda i: (i, 0)),
          pl.BlockSpec((1, 64), lambda i: (0, 0)),
          pl.BlockSpec((64, 16), lambda i: (0, 0)),
      ],
      out_specs=pl.BlockSpec((_BLK, 16), lambda i: (i, 0)),
      out_shape=jax.ShapeDtypeStruct((N, 16), jnp.float32),
  )(dp, p, y1, b1r, W2p)


def _final(dp, q, y2p, b2p):
  def body(dp_ref, q_ref, y2_ref, b2_ref, o_ref):
    deg = dp_ref[0, :, 0:1] + dp_ref[1, :, 0:1] + 1.0
    dis = lax.rsqrt(deg)
    o_ref[...] = dis * (q_ref[0] + q_ref[1] + y2_ref[...]) + b2_ref[...]

  return pl.pallas_call(
      body,
      grid=(_GRID,),
      in_specs=[
          pl.BlockSpec((2, _BLK, 16), lambda i: (0, i, 0)),
          pl.BlockSpec((2, _BLK, 16), lambda i: (0, i, 0)),
          pl.BlockSpec((_BLK, 16), lambda i: (i, 0)),
          pl.BlockSpec((1, 16), lambda i: (0, 0)),
      ],
      out_specs=pl.BlockSpec((_BLK, 16), lambda i: (i, 0)),
      out_shape=jax.ShapeDtypeStruct((N, 16), jnp.float32),
  )(dp, q, y2p, b2p)


def kernel(x, edge_index, W1, b1, W2, b2):
  x = x.astype(jnp.float32)
  src3 = edge_index[0].reshape(NW, K, C)
  dst3 = edge_index[1].reshape(NW, K, C)
  zeros16 = jnp.zeros((NP, 16), jnp.float32)
  zeros64 = jnp.zeros((NP, 64), jnp.float32)
  ones = jnp.ones((C, 16), jnp.float32)
  W2p = jnp.pad(W2, ((0, 0), (0, 14)))
  b1r = b1.reshape(1, 64)
  b2p = jnp.pad(b2, (0, 14)).reshape(1, 16)

  dp = _deg_pass(ones, dst3, zeros16)
  xw = _matmul_xw(x, W1)
  y1 = _scale_y1(dp, xw)
  p = _edge64(y1, src3, dst3, zeros64)
  y2p = _layer2_prep(dp, p, y1, b1r, W2p)
  q = _edge16(y2p, src3, dst3, zeros16)
  outp = _final(dp, q, y2p, b2p)
  return outp[:, :2]

# --- scband reference (transcript-rebuilt; emitter-appended) ---
"""Pipeline reference for scband-social-gnn-43465069035984 (READ-ONLY COPY).

The authoritative reference and input builder live on the scoring server;
editing this copy changes nothing except your own understanding.
"""

import jax, jax.numpy as jnp
import numpy as np

N = 10000
E = 320000
F_IN = 128
F_HID = 64
F_OUT = 2


def setup_inputs(seed: int = 0) -> dict:
    key = jax.random.key(seed)
    k1, k2, k3, k4, k5, k6 = jax.random.split(key, 6)
    x = jax.random.normal(k1, (N, F_IN), dtype=jnp.float32)
    edge_index = jax.random.randint(k2, (2, E), 0, N, dtype=jnp.int32)
    W1 = jax.random.normal(k3, (F_IN, F_HID), dtype=jnp.float32) * (1.0 / np.sqrt(F_IN))
    b1 = jnp.zeros((F_HID,), dtype=jnp.float32)
    W2 = jax.random.normal(k4, (F_HID, F_OUT), dtype=jnp.float32) * (1.0 / np.sqrt(F_HID))
    b2 = jnp.zeros((F_OUT,), dtype=jnp.float32)
    return {"x": x, "edge_index": edge_index, "W1": W1, "b1": b1, "W2": W2, "b2": b2}


def gcn_conv(x, edge_index, W, b):
    # PyG GCNConv: add self-loops, symmetric normalization D^-1/2 (A+I) D^-1/2, then X W + b
    n = x.shape[0]
    loop = jnp.arange(n, dtype=edge_index.dtype)
    src = jnp.concatenate([edge_index[0], loop])
    dst = jnp.concatenate([edge_index[1], loop])
    deg = jnp.zeros((n,), dtype=x.dtype).at[dst].add(1.0)
    deg_inv_sqrt = jnp.where(deg > 0, 1.0 / jnp.sqrt(deg), 0.0)
    norm = deg_inv_sqrt[src] * deg_inv_sqrt[dst]
    xw = x @ W
    msg = jnp.take(xw, src, axis=0) * norm[:, None]
    out = jax.ops.segment_sum(msg, dst, num_segments=n)
    return out + b


def reference(x, edge_index, W1, b1, W2, b2):
    x = x.astype(jnp.float32)
    h = jax.nn.relu(gcn_conv(x, edge_index, W1, b1))
    out = gcn_conv(h, edge_index, W2, b2)
    return out

if __name__ == "__main__":
    import jax
    _d = setup_inputs()
    print(jax.jit(kernel)(*tuple(_d.values())))

</pallas_src>

<mosaic_0001>
#map = affine_map<(d0, d1) -> (0, 0)>
#map1 = affine_map<(d0, d1) -> (0, 0, 0)>
module attributes {stable_mosaic.version = 14 : i64} {
  func.func @_deg_pass(%arg0: i32, %arg1: i32, %arg2: memref<200x16xf32, #tpu.memory_space<hbm>>, %arg3: memref<32x50x200xi32, #tpu.memory_space<hbm>>, %arg4: memref<10240x16xf32, #tpu.memory_space<hbm>>, %arg5: memref<2x10240x16xf32, #tpu.memory_space<hbm>>, %arg6: memref<50x200xi32, #tpu.memory_space<vmem>>, %arg7: memref<200x16xf32, #tpu.memory_space<vmem>>, %arg8: memref<10240x16xf32, #tpu.memory_space<vmem_shared>>, %arg9: memref<!tpu.dma_semaphore, #tpu.memory_space<semaphore_mem>>) attributes {dimension_semantics = [#tpu.dimension_semantics<core_parallel>, #tpu.dimension_semantics<subcore_parallel>], iteration_bounds = array<i64: 2, 16>, scalar_prefetch = 0 : i64, scratch_operands = 4 : i64, tpu.core_type = #tpu.core_type<sc_vector_subcore>, window_params = [{transform_indices = #map}, {transform_indices = #map1}, {transform_indices = #map}, {transform_indices = #map1}]} {
    %mul3A = arith.constant 16 : i32
    %mul3A_0 = arith.muli %arg0, %mul3A : i32
    %add3A = arith.addi %mul3A_0, %arg1 : i32
    "tpu.region"() ({
      %run_scoped3A = tpu.sem_alloc : memref<!tpu.dma_semaphore, #tpu.memory_space<semaphore_mem>>
      %dma_start3A = arith.constant 0 : i32
      %dma_start3A_13 = arith.constant 0 : i32
      %dma_start3A_14 = tpu.memref_slice %arg3[%add3A, %dma_start3A, %dma_start3A_13] : memref<32x50x200xi32, #tpu.memory_space<hbm>> -> memref<1x50x200xi32, #tpu.memory_space<hbm>>
      %dma_start3A_15 = tpu.memref_squeeze %dma_start3A_14 : memref<1x50x200xi32, #tpu.memory_space<hbm>> -> memref<50x200xi32, #tpu.memory_space<hbm>>
      %dma_start3A_16 = arith.constant 0 : i32
      %dma_start3A_17 = arith.constant 0 : i32
      %dma_start3A_18 = tpu.memref_slice %arg3[%add3A, %dma_start3A_16, %dma_start3A_17] : memref<32x50x200xi32, #tpu.memory_space<hbm>> -> memref<1x50x200xi32, #tpu.memory_space<hbm>>
      %dma_start3A_19 = tpu.memref_squeeze %dma_start3A_18 : memref<1x50x200xi32, #tpu.memory_space<hbm>> -> memref<50x200xi32, #tpu.memory_space<hbm>>
      tpu.enqueue_dma source(%dma_start3A_19 : memref<50x200xi32, #tpu.memory_space<hbm>>) target(%arg6 : memref<50x200xi32, #tpu.memory_space<vmem>>) target_semaphore(%run_scoped3A : memref<!tpu.dma_semaphore, #tpu.memory_space<semaphore_mem>>)
      %dma_wait3A = arith.constant 0 : i32
      %dma_wait3A_20 = arith.constant 0 : i32
      %dma_wait3A_21 = tpu.memref_slice %arg3[%add3A, %dma_wait3A, %dma_wait3A_20] : memref<32x50x200xi32, #tpu.memory_space<hbm>> -> memref<1x50x200xi32, #tpu.memory_space<hbm>>
      %dma_wait3A_22 = tpu.memref_squeeze %dma_wait3A_21 : memref<1x50x200xi32, #tpu.memory_space<hbm>> -> memref<50x200xi32, #tpu.memory_space<hbm>>
      %dma_wait3A_23 = arith.constant 0 : i32
      %dma_wait3A_24 = arith.constant 0 : i32
      %dma_wait3A_25 = tpu.memref_slice %arg3[%add3A, %dma_wait3A_23, %dma_wait3A_24] : memref<32x50x200xi32, #tpu.memory_space<hbm>> -> memref<1x50x200xi32, #tpu.memory_space<hbm>>
      %dma_wait3A_26 = tpu.memref_squeeze %dma_wait3A_25 : memref<1x50x200xi32, #tpu.memory_space<hbm>> -> memref<50x200xi32, #tpu.memory_space<hbm>>
      tpu.wait_dma2 semaphore(%run_scoped3A : memref<!tpu.dma_semaphore, #tpu.memory_space<semaphore_mem>>) src(%dma_wait3A_26 : memref<50x200xi32, #tpu.memory_space<hbm>>) dst(%arg6 : memref<50x200xi32, #tpu.memory_space<vmem>>)
      tpu.yield
    }) : () -> ()
    "tpu.region"() ({
      %run_scoped3A = tpu.sem_alloc : memref<!tpu.dma_semaphore, #tpu.memory_space<semaphore_mem>>
      tpu.enqueue_dma source(%arg2 : memref<200x16xf32, #tpu.memory_space<hbm>>) target(%arg7 : memref<200x16xf32, #tpu.memory_space<vmem>>) target_semaphore(%run_scoped3A : memref<!tpu.dma_semaphore, #tpu.memory_space<semaphore_mem>>)
      tpu.wait_dma2 semaphore(%run_scoped3A : memref<!tpu.dma_semaphore, #tpu.memory_space<semaphore_mem>>) src(%arg2 : memref<200x16xf32, #tpu.memory_space<hbm>>) dst(%arg7 : memref<200x16xf32, #tpu.memory_space<vmem>>)
      tpu.yield
    }) : () -> ()
    %mul3A_1 = arith.constant 640 : i32
    %mul3A_2 = arith.muli %arg1, %mul3A_1 : i32
    "tpu.region"() ({
      %run_scoped3A = tpu.sem_alloc : memref<!tpu.dma_semaphore, #tpu.memory_space<semaphore_mem>>
      %dma_start3A = arith.constant 0 : i32
      %dma_start3A_13 = tpu.memref_slice %arg8[%mul3A_2, %dma_start3A] : memref<10240x16xf32, #tpu.memory_space<vmem_shared>> -> memref<640x16xf32, #tpu.memory_space<vmem_shared>>
      %dma_start3A_14 = arith.constant 0 : i32
      %dma_start3A_15 = tpu.memref_slice %arg4[%mul3A_2, %dma_start3A_14] : memref<10240x16xf32, #tpu.memory_space<hbm>> -> memref<640x16xf32, #tpu.memory_space<hbm>>
      tpu.enqueue_dma source(%dma_start3A_15 : memref<640x16xf32, #tpu.memory_space<hbm>>) target(%dma_start3A_13 : memref<640x16xf32, #tpu.memory_space<vmem_shared>>) target_semaphore(%run_scoped3A : memref<!tpu.dma_semaphore, #tpu.memory_space<semaphore_mem>>)
      %dma_wait3A = arith.constant 0 : i32
      %dma_wait3A_16 = tpu.memref_slice %arg8[%mul3A_2, %dma_wait3A] : memref<10240x16xf32, #tpu.memory_space<vmem_shared>> -> memref<640x16xf32, #tpu.memory_space<vmem_shared>>
      %dma_wait3A_17 = arith.constant 0 : i32
      %dma_wait3A_18 = tpu.memref_slice %arg4[%mul3A_2, %dma_wait3A_17] : memref<10240x16xf32, #tpu.memory_space<hbm>> -> memref<640x16xf32, #tpu.memory_space<hbm>>
      tpu.wait_dma2 semaphore(%run_scoped3A : memref<!tpu.dma_semaphore, #tpu.memory_space<semaphore_mem>>) src(%dma_wait3A_18 : memref<640x16xf32, #tpu.memory_space<hbm>>) dst(%dma_wait3A_16 : memref<640x16xf32, #tpu.memory_space<vmem_shared>>)
      tpu.yield
    }) : () -> ()
    %barrier3A = arith.constant 0 : index
    tpu.barrier barrier_id(%barrier3A)
    %scan3A = arith.constant 0 : i32
    %scan3A_3 = arith.constant 50 : i32
    %scan3A_4 = arith.addi %scan3A, %scan3A_3 : i32
    %scan3A_5 = arith.constant 1 : i32
    scf.for %scan3A_13 = %scan3A to %scan3A_4 step %scan3A_5  : i32 {
      %mul3A_14 = arith.constant 1 : i32
      %mul3A_15 = arith.muli %scan3A_13, %mul3A_14 : i32
      %add3A_16 = arith.constant 0 : i32
      %add3A_17 = arith.addi %add3A_16, %mul3A_15 : i32
      %dma_start3A = arith.constant 0 : i32
      %dma_start3A_18 = tpu.memref_slice %arg6[%add3A_17, %dma_start3A] : memref<50x200xi32, #tpu.memory_space<vmem>> -> memref<1x200xi32, #tpu.memory_space<vmem>>
      %dma_start3A_19 = tpu.memref_squeeze %dma_start3A_18 : memref<1x200xi32, #tpu.memory_space<vmem>> -> memref<200xi32, #tpu.memory_space<vmem>>
      %dma_start3A_20 = arith.constant 0 : i32
      %dma_start3A_21 = arith.constant 0 : i32
      %dma_start3A_22 = tpu.memref_slice %arg8[%dma_start3A_20, %dma_start3A_21] : memref<10240x16xf32, #tpu.memory_space<vmem_shared>> -> memref<10240x16xf32, #tpu.memory_space<vmem_shared>>
      tpu.enqueue_indirect_dma source(%arg7 : memref<200x16xf32, #tpu.memory_space<vmem>>) target(%dma_start3A_22 : memref<10240x16xf32, #tpu.memory_space<vmem_shared>>) offsets(%dma_start3A_19 : memref<200xi32, #tpu.memory_space<vmem>>) semaphore(%arg9 : memref<!tpu.dma_semaphore, #tpu.memory_space<semaphore_mem>>) {add = true}
      %ge3A = arith.constant 8 : i32
      %ge3A_23 = arith.cmpi sge, %add3A_17, %ge3A : i32
      %convert_element_type3A = arith.extui %ge3A_23 : i1 to i32
      %cond3A = arith.constant 0 : i32
      %cond3A_24 = arith.cmpi ne, %convert_element_type3A, %cond3A : i32
      scf.if %cond3A_24 {
        %sub3A = arith.constant 8 : i32
        %sub3A_25 = arith.subi %add3A_17, %sub3A : i32
        %dma_wait3A = arith.constant 0 : i32
        %dma_wait3A_26 = tpu.memref_slice %arg6[%sub3A_25, %dma_wait3A] : memref<50x200xi32, #tpu.memory_space<vmem>> -> memref<1x200xi32, #tpu.memory_space<vmem>>
        %dma_wait3A_27 = tpu.memref_squeeze %dma_wait3A_26 : memref<1x200xi32, #tpu.memory_space<vmem>> -> memref<200xi32, #tpu.memory_space<vmem>>
        %dma_wait3A_28 = arith.constant 0 : i32
        %dma_wait3A_29 = arith.constant 0 : i32
        %dma_wait3A_30 = tpu.memref_slice %arg8[%dma_wait3A_28, %dma_wait3A_29] : memref<10240x16xf32, #tpu.memory_space<vmem_shared>> -> memref<10240x16xf32, #tpu.memory_space<vmem_shared>>
        tpu.wait_indirect_dma semaphore(%arg9 : memref<!tpu.dma_semaphore, #tpu.memory_space<semaphore_mem>>) src(%arg7 : memref<200x16xf32, #tpu.memory_space<vmem>>) dst(%dma_wait3A_30 : memref<10240x16xf32, #tpu.memory_space<vmem_shared>>)
      } else {
      }
    }
    %scan3A_6 = arith.constant 50 : i32
    %scan3A_7 = arith.constant 0 : i32
    %scan3A_8 = arith.constant 8 : i32
    %scan3A_9 = arith.addi %scan3A_7, %scan3A_8 : i32
    %scan3A_10 = arith.constant 1 : i32
    scf.for %scan3A_13 = %scan3A_7 to %scan3A_9 step %scan3A_10  : i32 {
      %mul3A_14 = arith.constant 1 : i32
      %mul3A_15 = arith.muli %scan3A_13, %mul3A_14 : i32
      %add3A_16 = arith.constant 42 : i32
      %add3A_17 = arith.addi %add3A_16, %mul3A_15 : i32
      %dma_wait3A = arith.constant 0 : i32
      %dma_wait3A_18 = tpu.memref_slice %arg6[%add3A_17, %dma_wait3A] : memref<50x200xi32, #tpu.memory_space<vmem>> -> memref<1x200xi32, #tpu.memory_space<vmem>>
      %dma_wait3A_19 = tpu.memref_squeeze %dma_wait3A_18 : memref<1x200xi32, #tpu.memory_space<vmem>> -> memref<200xi32, #tpu.memory_space<vmem>>
      %dma_wait3A_20 = arith.constant 0 : i32
      %dma_wait3A_21 = arith.constant 0 : i32
      %dma_wait3A_22 = tpu.memref_slice %arg8[%dma_wait3A_20, %dma_wait3A_21] : memref<10240x16xf32, #tpu.memory_space<vmem_shared>> -> memref<10240x16xf32, #tpu.memory_space<vmem_shared>>
      tpu.wait_indirect_dma semaphore(%arg9 : memref<!tpu.dma_semaphore, #tpu.memory_space<semaphore_mem>>) src(%arg7 : memref<200x16xf32, #tpu.memory_space<vmem>>) dst(%dma_wait3A_22 : memref<10240x16xf32, #tpu.memory_space<vmem_shared>>)
    }
    %scan3A_11 = arith.constant 8 : i32
    %barrier3A_12 = arith.constant 0 : index
    tpu.barrier barrier_id(%barrier3A_12)
    "tpu.region"() ({
      %run_scoped3A = tpu.sem_alloc : memref<!tpu.dma_semaphore, #tpu.memory_space<semaphore_mem>>
      %dma_start3A = arith.constant 0 : i32
      %dma_start3A_13 = tpu.memref_slice %arg5[%arg0, %mul3A_2, %dma_start3A] : memref<2x10240x16xf32, #tpu.memory_space<hbm>> -> memref<1x640x16xf32, #tpu.memory_space<hbm>>
      %dma_start3A_14 = tpu.memref_squeeze %dma_start3A_13 : memref<1x640x16xf32, #tpu.memory_space<hbm>> -> memref<640x16xf32, #tpu.memory_space<hbm>>
      %dma_start3A_15 = arith.constant 0 : i32
      %dma_start3A_16 = tpu.memref_slice %arg8[%mul3A_2, %dma_start3A_15] : memref<10240x16xf32, #tpu.memory_space<vmem_shared>> -> memref<640x16xf32, #tpu.memory_space<vmem_shared>>
      tpu.enqueue_dma source(%dma_start3A_16 : memref<640x16xf32, #tpu.memory_space<vmem_shared>>) target(%dma_start3A_14 : memref<640x16xf32, #tpu.memory_space<hbm>>) target_semaphore(%run_scoped3A : memref<!tpu.dma_semaphore, #tpu.memory_space<semaphore_mem>>)
      %dma_wait3A = arith.constant 0 : i32
      %dma_wait3A_17 = tpu.memref_slice %arg5[%arg0, %mul3A_2, %dma_wait3A] : memref<2x10240x16xf32, #tpu.memory_space<hbm>> -> memref<1x640x16xf32, #tpu.memory_space<hbm>>
      %dma_wait3A_18 = tpu.memref_squeeze %dma_wait3A_17 : memref<1x640x16xf32, #tpu.memory_space<hbm>> -> memref<640x16xf32, #tpu.memory_space<hbm>>
      %dma_wait3A_19 = arith.constant 0 : i32
      %dma_wait3A_20 = tpu.memref_slice %arg8[%mul3A_2, %dma_wait3A_19] : memref<10240x16xf32, #tpu.memory_space<vmem_shared>> -> memref<640x16xf32, #tpu.memory_space<vmem_shared>>
      tpu.wait_dma2 semaphore(%run_scoped3A : memref<!tpu.dma_semaphore, #tpu.memory_space<semaphore_mem>>) src(%dma_wait3A_20 : memref<640x16xf32, #tpu.memory_space<vmem_shared>>) dst(%dma_wait3A_18 : memref<640x16xf32, #tpu.memory_space<hbm>>)
      tpu.yield
    }) : () -> ()
    return
  }
}

#map = affine_map<(d0, d1) -> (0, 0)>
#map1 = affine_map<(d0, d1) -> (0, 0, 0)>
module attributes {stable_mosaic.version = 14 : i64} {
  func.func @edge_pass(%arg0: i32, %arg1: i32, %arg2: memref<10000x64xf32, #tpu.memory_space<hbm>>, %arg3: memref<32x50x200xi32, #tpu.memory_space<hbm>>, %arg4: memref<32x50x200xi32, #tpu.memory_space<hbm>>, %arg5: memref<10240x64xf32, #tpu.memory_space<hbm>>, %arg6: memref<2x10240x64xf32, #tpu.memory_space<hbm>>, %arg7: memref<50x200xi32, #tpu.memory_space<vmem>>, %arg8: memref<50x200xi32, #tpu.memory_space<vmem>>, %arg9: memref<200x64xf32, #tpu.memory_space<vmem>>, %arg10: memref<200x64xf32, #tpu.memory_space<vmem>>, %arg11: memref<200x64xf32, #tpu.memory_space<vmem>>, %arg12: memref<200x64xf32, #tpu.memory_space<vmem>>, %arg13: memref<200x64xf32, #tpu.memory_space<vmem>>, %arg14: memref<10240x64xf32, #tpu.memory_space<vmem_shared>>, %arg15: memref<!tpu.dma_semaphore, #tpu.memory_space<semaphore_mem>>, %arg16: memref<!tpu.dma_semaphore, #tpu.memory_space<semaphore_mem>>, %arg17: memref<!tpu.dma_semaphore, #tpu.memory_space<semaphore_mem>>, %arg18: memref<!tpu.dma_semaphore, #tpu.memory_space<semaphore_mem>>, %arg19: memref<!tpu.dma_semaphore, #tpu.memory_space<semaphore_mem>>, %arg20: memref<!tpu.dma_semaphore, #tpu.memory_space<semaphore_mem>>, %arg21: memref<!tpu.dma_semaphore, #tpu.memory_space<semaphore_mem>>, %arg22: memref<!tpu.dma_semaphore, #tpu.memory_space<semaphore_mem>>, %arg23: memref<!tpu.dma_semaphore, #tpu.memory_space<semaphore_mem>>, %arg24: memref<!tpu.dma_semaphore, #tpu.memory_space<semaphore_mem>>) attributes {dimension_semantics = [#tpu.dimension_semantics<core_parallel>, #tpu.dimension_semantics<subcore_parallel>], iteration_bounds = array<i64: 2, 16>, scalar_prefetch = 0 : i64, scratch_operands = 18 : i64, tpu.core_type = #tpu.core_type<sc_vector_subcore>, window_params = [{transform_indices = #map}, {transform_indices = #map1}, {transform_indices = #map1}, {transform_indices = #map}, {transform_indices = #map1}]} {
    %mul3A = arith.constant 16 : i32
    %mul3A_0 = arith.muli %arg0, %mul3A : i32
    %add3A = arith.addi %mul3A_0, %arg1 : i32
    "tpu.region"() ({
      %run_scoped3A = tpu.sem_alloc : memref<!tpu.dma_semaphore, #tpu.memory_space<semaphore_mem>>
      %dma_start3A_55 = arith.constant 0 : i32
      %dma_start3A_56 = arith.constant 0 : i32
      %dma_start3A_57 = tpu.memref_slice %arg4[%add3A, %dma_start3A_55, %dma_start3A_56] : memref<32x50x200xi32, #tpu.memory_space<hbm>> -> memref<1x50x200xi32, #tpu.memory_space<hbm>>
      %dma_start3A_58 = tpu.memref_squeeze %dma_start3A_57 : memref<1x50x200xi32, #tpu.memory_space<hbm>> -> memref<50x200xi32, #tpu.memory_space<hbm>>
      %dma_start3A_59 = arith.constant 0 : i32
      %dma_start3A_60 = arith.constant 0 : i32
      %dma_start3A_61 = tpu.memref_slice %arg4[%add3A, %dma_start3A_59, %dma_start3A_60] : memref<32x50x200xi32, #tpu.memory_space<hbm>> -> memref<1x50x200xi32, #tpu.memory_space<hbm>>
      %dma_start3A_62 = tpu.memref_squeeze %dma_start3A_61 : memref<1x50x200xi32, #tpu.memory_space<hbm>> -> memref<50x200xi32, #tpu.memory_space<hbm>>
      tpu.enqueue_dma source(%dma_start3A_62 : memref<50x200xi32, #tpu.memory_space<hbm>>) target(%arg7 : memref<50x200xi32, #tpu.memory_space<vmem>>) target_semaphore(%run_scoped3A : memref<!tpu.dma_semaphore, #tpu.memory_space<semaphore_mem>>)
      %dma_wait3A_63 = arith.constant 0 : i32
      %dma_wait3A_64 = arith.constant 0 : i32
      %dma_wait3A_65 = tpu.memref_slice %arg4[%add3A, %dma_wait3A_63, %dma_wait3A_64] : memref<32x50x200xi32, #tpu.memory_space<hbm>> -> memref<1x50x200xi32, #tpu.memory_space<hbm>>
      %dma_wait3A_66 = tpu.memref_squeeze %dma_wait3A_65 : memref<1x50x200xi32, #tpu.memory_space<hbm>> -> memref<50x200xi32, #tpu.memory_space<hbm>>
      %dma_wait3A_67 = arith.constant 0 : i32
      %dma_wait3A_68 = arith.constant 0 : i32
      %dma_wait3A_69 = tpu.memref_slice %arg4[%add3A, %dma_wait3A_67, %dma_wait3A_68] : memref<32x50x200xi32, #tpu.memory_space<hbm>> -> memref<1x50x200xi32, #tpu.memory_space<hbm>>
      %dma_wait3A_70 = tpu.memref_squeeze %dma_wait3A_69 : memref<1x50x200xi32, #tpu.memory_space<hbm>> -> memref<50x200xi32, #tpu.memory_space<hbm>>
      tpu.wait_dma2 semaphore(%run_scoped3A : memref<!tpu.dma_semaphore, #tpu.memory_space<semaphore_mem>>) src(%dma_wait3A_70 : memref<50x200xi32, #tpu.memory_space<hbm>>) dst(%arg7 : memref<50x200xi32, #tpu.memory_space<vmem>>)
      tpu.yield
    }) : () -> ()
    "tpu.region"() ({
      %run_scoped3A = tpu.sem_alloc : memref<!tpu.dma_semaphore, #tpu.memory_space<semaphore_mem>>
      %dma_start3A_55 = arith.constant 0 : i32
      %dma_start3A_56 = arith.constant 0 : i32
      %dma_start3A_57 = tpu.memref_slice %arg3[%add3A, %dma_start3A_55, %dma_start3A_56] : memref<32x50x200xi32, #tpu.memory_space<hbm>> -> memref<1x50x200xi32, #tpu.memory_space<hbm>>
      %dma_start3A_58 = tpu.memref_squeeze %dma_start3A_57 : memref<1x50x200xi32, #tpu.memory_space<hbm>> -> memref<50x200xi32, #tpu.memory_space<hbm>>
      %dma_start3A_59 = arith.constant 0 : i32
      %dma_start3A_60 = arith.constant 0 : i32
      %dma_start3A_61 = tpu.memref_slice %arg3[%add3A, %dma_start3A_59, %dma_start3A_60] : memref<32x50x200xi32, #tpu.memory_space<hbm>> -> memref<1x50x200xi32, #tpu.memory_space<hbm>>
      %dma_start3A_62 = tpu.memref_squeeze %dma_start3A_61 : memref<1x50x200xi32, #tpu.memory_space<hbm>> -> memref<50x200xi32, #tpu.memory_space<hbm>>
      tpu.enqueue_dma source(%dma_start3A_62 : memref<50x200xi32, #tpu.memory_space<hbm>>) target(%arg8 : memref<50x200xi32, #tpu.memory_space<vmem>>) target_semaphore(%run_scoped3A : memref<!tpu.dma_semaphore, #tpu.memory_space<semaphore_mem>>)
      %dma_wait3A_63 = arith.constant 0 : i32
      %dma_wait3A_64 = arith.constant 0 : i32
      %dma_wait3A_65 = tpu.memref_slice %arg3[%add3A, %dma_wait3A_63, %dma_wait3A_64] : memref<32x50x200xi32, #tpu.memory_space<hbm>> -> memref<1x50x200xi32, #tpu.memory_space<hbm>>
      %dma_wait3A_66 = tpu.memref_squeeze %dma_wait3A_65 : memref<1x50x200xi32, #tpu.memory_space<hbm>> -> memref<50x200xi32, #tpu.memory_space<hbm>>
      %dma_wait3A_67 = arith.constant 0 : i32
      %dma_wait3A_68 = arith.constant 0 : i32
      %dma_wait3A_69 = tpu.memref_slice %arg3[%add3A, %dma_wait3A_67, %dma_wait3A_68] : memref<32x50x200xi32, #tpu.memory_space<hbm>> -> memref<1x50x200xi32, #tpu.memory_space<hbm>>
      %dma_wait3A_70 = tpu.memref_squeeze %dma_wait3A_69 : memref<1x50x200xi32, #tpu.memory_space<hbm>> -> memref<50x200xi32, #tpu.memory_space<hbm>>
      tpu.wait_dma2 semaphore(%run_scoped3A : memref<!tpu.dma_semaphore, #tpu.memory_space<semaphore_mem>>) src(%dma_wait3A_70 : memref<50x200xi32, #tpu.memory_space<hbm>>) dst(%arg8 : memref<50x200xi32, #tpu.memory_space<vmem>>)
      tpu.yield
    }) : () -> ()
    %mul3A_1 = arith.constant 640 : i32
    %mul3A_2 = arith.muli %arg1, %mul3A_1 : i32
    "tpu.region"() ({
      %run_scoped3A = tpu.sem_alloc : memref<!tpu.dma_semaphore, #tpu.memory_space<semaphore_mem>>
      %dma_start3A_55 = arith.constant 0 : i32
      %dma_start3A_56 = tpu.memref_slice %arg14[%mul3A_2, %dma_start3A_55] : memref<10240x64xf32, #tpu.memory_space<vmem_shared>> -> memref<640x64xf32, #tpu.memory_space<vmem_shared>>
      %dma_start3A_57 = arith.constant 0 : i32
      %dma_start3A_58 = tpu.memref_slice %arg5[%mul3A_2, %dma_start3A_57] : memref<10240x64xf32, #tpu.memory_space<hbm>> -> memref<640x64xf32, #tpu.memory_space<hbm>>
      tpu.enqueue_dma source(%dma_start3A_58 : memref<640x64xf32, #tpu.memory_space<hbm>>) target(%dma_start3A_56 : memref<640x64xf32, #tpu.memory_space<vmem_shared>>) target_semaphore(%run_scoped3A : memref<!tpu.dma_semaphore, #tpu.memory_space<semaphore_mem>>)
      %dma_wait3A_59 = arith.constant 0 : i32
      %dma_wait3A_60 = tpu.memref_slice %arg14[%mul3A_2, %dma_wait3A_59] : memref<10240x64xf32, #tpu.memory_space<vmem_shared>> -> memref<640x64xf32, #tpu.memory_space<vmem_shared>>
      %dma_wait3A_61 = arith.constant 0 : i32
      %dma_wait3A_62 = tpu.memref_slice %arg5[%mul3A_2, %dma_wait3A_61] : memref<10240x64xf32, #tpu.memory_space<hbm>> -> memref<640x64xf32, #tpu.memory_space<hbm>>
      tpu.wait_dma2 semaphore(%run_scoped3A : memref<!tpu.dma_semaphore, #tpu.memory_space<semaphore_mem>>) src(%dma_wait3A_62 : memref<640x64xf32, #tpu.memory_space<hbm>>) dst(%dma_wait3A_60 : memref<640x64xf32, #tpu.memory_space<vmem_shared>>)
      tpu.yield
    }) : () -> ()
    %barrier3A = arith.constant 0 : index
    tpu.barrier barrier_id(%barrier3A)
    %dma_start3A = arith.constant 0 : i32
    %dma_start3A_3 = arith.constant 0 : i32
    %dma_start3A_4 = tpu.memref_slice %arg8[%dma_start3A, %dma_start3A_3] : memref<50x200xi32, #tpu.memory_space<vmem>> -> memref<1x200xi32, #tpu.memory_space<vmem>>
    %dma_start3A_5 = tpu.memref_squeeze %dma_start3A_4 : memref<1x200xi32, #tpu.memory_space<vmem>> -> memref<200xi32, #tpu.memory_space<vmem>>
    %dma_start3A_6 = arith.constant 0 : i32
    %dma_start3A_7 = arith.constant 0 : i32
    %dma_start3A_8 = tpu.memref_slice %arg2[%dma_start3A_6, %dma_start3A_7] : memref<10000x64xf32, #tpu.memory_space<hbm>> -> memref<10000x64xf32, #tpu.memory_space<hbm>>
    tpu.enqueue_indirect_dma source(%dma_start3A_8 : memref<10000x64xf32, #tpu.memory_space<hbm>>) target(%arg9 : memref<200x64xf32, #tpu.memory_space<vmem>>) offsets(%dma_start3A_5 : memref<200xi32, #tpu.memory_space<vmem>>) semaphore(%arg15 : memref<!tpu.dma_semaphore, #tpu.memory_space<semaphore_mem>>)
    %dma_start3A_9 = arith.constant 1 : i32
    %dma_start3A_10 = arith.constant 0 : i32
    %dma_start3A_11 = tpu.memref_slice %arg8[%dma_start3A_9, %dma_start3A_10] : memref<50x200xi32, #tpu.memory_space<vmem>> -> memref<1x200xi32, #tpu.memory_space<vmem>>
    %dma_start3A_12 = tpu.memref_squeeze %dma_start3A_11 : memref<1x200xi32, #tpu.memory_space<vmem>> -> memref<200xi32, #tpu.memory_space<vmem>>
    %dma_start3A_13 = arith.constant 0 : i32
    %dma_start3A_14 = arith.constant 0 : i32
    %dma_start3A_15 = tpu.memref_slice %arg2[%dma_start3A_13, %dma_start3A_14] : memref<10000x64xf32, #tpu.memory_space<hbm>> -> memref<10000x64xf32, #tpu.memory_space<hbm>>
    tpu.enqueue_indirect_dma source(%dma_start3A_15 : memref<10000x64xf32, #tpu.memory_space<hbm>>) target(%arg10 : memref<200x64xf32, #tpu.memory_space<vmem>>) offsets(%dma_start3A_12 : memref<200xi32, #tpu.memory_space<vmem>>) semaphore(%arg16 : memref<!tpu.dma_semaphore, #tpu.memory_space<semaphore_mem>>)
    %scan3A = arith.constant 0 : i32
    %scan3A_16 = arith.constant 10 : i32
    %scan3A_17 = arith.addi %scan3A, %scan3A_16 : i32
    %scan3A_18 = arith.constant 1 : i32
    scf.for %scan3A_55 = %scan3A to %scan3A_17 step %scan3A_18  : i32 {
      %mul3A_56 = arith.constant 1 : i32
      %mul3A_57 = arith.muli %scan3A_55, %mul3A_56 : i32
      %add3A_58 = arith.constant 0 : i32
      %add3A_59 = arith.addi %add3A_58, %mul3A_57 : i32
      %mul3A_60 = arith.constant 5 : i32
      %mul3A_61 = arith.muli %add3A_59, %mul3A_60 : i32
      %add3A_62 = arith.constant 0 : i32
      %add3A_63 = arith.addi %mul3A_61, %add3A_62 : i32
      %dma_wait3A_64 = arith.constant 0 : i32
      %dma_wait3A_65 = tpu.memref_slice %arg8[%add3A_63, %dma_wait3A_64] : memref<50x200xi32, #tpu.memory_space<vmem>> -> memref<1x200xi32, #tpu.memory_space<vmem>>
      %dma_wait3A_66 = tpu.memref_squeeze %dma_wait3A_65 : memref<1x200xi32, #tpu.memory_space<vmem>> -> memref<200xi32, #tpu.memory_space<vmem>>
      %dma_wait3A_67 = arith.constant 0 : i32
      %dma_wait3A_68 = arith.constant 0 : i32
      %dma_wait3A_69 = tpu.memref_slice %arg2[%dma_wait3A_67, %dma_wait3A_68] : memref<10000x64xf32, #tpu.memory_space<hbm>> -> memref<10000x64xf32, #tpu.memory_space<hbm>>
      tpu.wait_indirect_dma semaphore(%arg15 : memref<!tpu.dma_semaphore, #tpu.memory_space<semaphore_mem>>) src(%dma_wait3A_69 : memref<10000x64xf32, #tpu.memory_space<hbm>>) dst(%arg9 : memref<200x64xf32, #tpu.memory_space<vmem>>)
      %dma_start3A_70 = arith.constant 0 : i32
      %dma_start3A_71 = tpu.memref_slice %arg7[%add3A_63, %dma_start3A_70] : memref<50x200xi32, #tpu.memory_space<vmem>> -> memref<1x200xi32, #tpu.memory_space<vmem>>
      %dma_start3A_72 = tpu.memref_squeeze %dma_start3A_71 : memref<1x200xi32, #tpu.memory_space<vmem>> -> memref<200xi32, #tpu.memory_space<vmem>>
      %dma_start3A_73 = arith.constant 0 : i32
      %dma_start3A_74 = arith.constant 0 : i32
      %dma_start3A_75 = tpu.memref_slice %arg14[%dma_start3A_73, %dma_start3A_74] : memref<10240x64xf32, #tpu.memory_space<vmem_shared>> -> memref<10240x64xf32, #tpu.memory_space<vmem_shared>>
      tpu.enqueue_indirect_dma source(%arg9 : memref<200x64xf32, #tpu.memory_space<vmem>>) target(%dma_start3A_75 : memref<10240x64xf32, #tpu.memory_space<vmem_shared>>) offsets(%dma_start3A_72 : memref<200xi32, #tpu.memory_space<vmem>>) semaphore(%arg20 : memref<!tpu.dma_semaphore, #tpu.memory_space<semaphore_mem>>) {add = true}
      %gt3A = arith.constant 0 : i32
      %gt3A_76 = arith.cmpi sgt, %add3A_59, %gt3A : i32
      %convert_element_type3A = arith.extui %gt3A_76 : i1 to i32
      %cond3A = arith.constant 0 : i32
      %cond3A_77 = arith.cmpi ne, %convert_element_type3A, %cond3A : i32
      scf.if %cond3A_77 {
        %add3A_181 = arith.constant 2 : i32
        %add3A_182 = arith.addi %add3A_63, %add3A_181 : i32
        %sub3A = arith.constant 5 : i32
        %sub3A_183 = arith.subi %add3A_182, %sub3A : i32
        %dma_wait3A_184 = arith.constant 0 : i32
        %dma_wait3A_185 = tpu.memref_slice %arg7[%sub3A_183, %dma_wait3A_184] : memref<50x200xi32, #tpu.memory_space<vmem>> -> memref<1x200xi32, #tpu.memory_space<vmem>>
        %dma_wait3A_186 = tpu.memref_squeeze %dma_wait3A_185 : memref<1x200xi32, #tpu.memory_space<vmem>> -> memref<200xi32, #tpu.memory_space<vmem>>
        %dma_wait3A_187 = arith.constant 0 : i32
        %dma_wait3A_188 = arith.constant 0 : i32
        %dma_wait3A_189 = tpu.memref_slice %arg14[%dma_wait3A_187, %dma_wait3A_188] : memref<10240x64xf32, #tpu.memory_space<vmem_shared>> -> memref<10240x64xf32, #tpu.memory_space<vmem_shared>>
        tpu.wait_indirect_dma semaphore(%arg22 : memref<!tpu.dma_semaphore, #tpu.memory_space<semaphore_mem>>) src(%arg11 : memref<200x64xf32, #tpu.memory_space<vmem>>) dst(%dma_wait3A_189 : memref<10240x64xf32, #tpu.memory_space<vmem_shared>>)
      } else {
      }
      %add3A_78 = arith.constant 2 : i32
      %add3A_79 = arith.addi %add3A_63, %add3A_78 : i32
      %dma_start3A_80 = arith.constant 0 : i32
      %dma_start3A_81 = tpu.memref_slice %arg8[%add3A_79, %dma_start3A_80] : memref<50x200xi32, #tpu.memory_space<vmem>> -> memref<1x200xi32, #tpu.memory_space<vmem>>
      %dma_start3A_82 = tpu.memref_squeeze %dma_start3A_81 : memref<1x200xi32, #tpu.memory_space<vmem>> -> memref<200xi32, #tpu.memory_space<vmem>>
      %dma_start3A_83 = arith.constant 0 : i32
      %dma_start3A_84 = arith.constant 0 : i32
      %dma_start3A_85 = tpu.memref_slice %arg2[%dma_start3A_83, %dma_start3A_84] : memref<10000x64xf32, #tpu.memory_space<hbm>> -> memref<10000x64xf32, #tpu.memory_space<hbm>>
      tpu.enqueue_indirect_dma source(%dma_start3A_85 : memref<10000x64xf32, #tpu.memory_space<hbm>>) target(%arg11 : memref<200x64xf32, #tpu.memory_space<vmem>>) offsets(%dma_start3A_82 : memref<200xi32, #tpu.memory_space<vmem>>) semaphore(%arg17 : memref<!tpu.dma_semaphore, #tpu.memory_space<semaphore_mem>>)
      %add3A_86 = arith.constant 1 : i32
      %add3A_87 = arith.addi %mul3A_61, %add3A_86 : i32
      %dma_wait3A_88 = arith.constant 0 : i32
      %dma_wait3A_89 = tpu.memref_slice %arg8[%add3A_87, %dma_wait3A_88] : memref<50x200xi32, #tpu.memory_space<vmem>> -> memref<1x200xi32, #tpu.memory_space<vmem>>
      %dma_wait3A_90 = tpu.memref_squeeze %dma_wait3A_89 : memref<1x200xi32, #tpu.memory_space<vmem>> -> memref<200xi32, #tpu.memory_space<vmem>>
      %dma_wait3A_91 = arith.constant 0 : i32
      %dma_wait3A_92 = arith.constant 0 : i32
      %dma_wait3A_93 = tpu.memref_slice %arg2[%dma_wait3A_91, %dma_wait3A_92] : memref<10000x64xf32, #tpu.memory_space<hbm>> -> memref<10000x64xf32, #tpu.memory_space<hbm>>
      tpu.wait_indirect_dma semaphore(%arg16 : memref<!tpu.dma_semaphore, #tpu.memory_space<semaphore_mem>>) src(%dma_wait3A_93 : memref<10000x64xf32, #tpu.memory_space<hbm>>) dst(%arg10 : memref<200x64xf32, #tpu.memory_space<vmem>>)
      %dma_start3A_94 = arith.constant 0 : i32
      %dma_start3A_95 = tpu.memref_slice %arg7[%add3A_87, %dma_start3A_94] : memref<50x200xi32, #tpu.memory_space<vmem>> -> memref<1x200xi32, #tpu.memory_space<vmem>>
      %dma_start3A_96 = tpu.memref_squeeze %dma_start3A_95 : memref<1x200xi32, #tpu.memory_space<vmem>> -> memref<200xi32, #tpu.memory_space<vmem>>
      %dma_start3A_97 = arith.constant 0 : i32
      %dma_start3A_98 = arith.constant 0 : i32
      %dma_start3A_99 = tpu.memref_slice %arg14[%dma_start3A_97, %dma_start3A_98] : memref<10240x64xf32, #tpu.memory_space<vmem_shared>> -> memref<10240x64xf32, #tpu.memory_space<vmem_shared>>
      tpu.enqueue_indirect_dma source(%arg10 : memref<200x64xf32, #tpu.memory_space<vmem>>) target(%dma_start3A_99 : memref<10240x64xf32, #tpu.memory_space<vmem_shared>>) offsets(%dma_start3A_96 : memref<200xi32, #tpu.memory_space<vmem>>) semaphore(%arg21 : memref<!tpu.dma_semaphore, #tpu.memory_space<semaphore_mem>>) {add = true}
      %gt3A_100 = arith.constant 0 : i32
      %gt3A_101 = arith.cmpi sgt, %add3A_59, %gt3A_100 : i32
      %convert_element_type3A_102 = arith.extui %gt3A_101 : i1 to i32
      %cond3A_103 = arith.constant 0 : i32
      %cond3A_104 = arith.cmpi ne, %convert_element_type3A_102, %cond3A_103 : i32
      scf.if %cond3A_104 {
        %add3A_181 = arith.constant 2 : i32
        %add3A_182 = arith.addi %add3A_87, %add3A_181 : i32
        %sub3A = arith.constant 5 : i32
        %sub3A_183 = arith.subi %add3A_182, %sub3A : i32
        %dma_wait3A_184 = arith.constant 0 : i32
        %dma_wait3A_185 = tpu.memref_slice %arg7[%sub3A_183, %dma_wait3A_184] : memref<50x200xi32, #tpu.memory_space<vmem>> -> memref<1x200xi32, #tpu.memory_space<vmem>>
        %dma_wait3A_186 = tpu.memref_squeeze %dma_wait3A_185 : memref<1x200xi32, #tpu.memory_space<vmem>> -> memref<200xi32, #tpu.memory_space<vmem>>
        %dma_wait3A_187 = arith.constant 0 : i32
        %dma_wait3A_188 = arith.constant 0 : i32
        %dma_wait3A_189 = tpu.memref_slice %arg14[%dma_wait3A_187, %dma_wait3A_188] : memref<10240x64xf32, #tpu.memory_space<vmem_shared>> -> memref<10240x64xf32, #tpu.memory_space<vmem_shared>>
        tpu.wait_indirect_dma semaphore(%arg23 : memref<!tpu.dma_semaphore, #tpu.memory_space<semaphore_mem>>) src(%arg12 : memref<200x64xf32, #tpu.memory_space<vmem>>) dst(%dma_wait3A_189 : memref<10240x64xf32, #tpu.memory_space<vmem_shared>>)
      } else {
      }
      %add3A_105 = arith.constant 2 : i32
      %add3A_106 = arith.addi %add3A_87, %add3A_105 : i32
      %dma_start3A_107 = arith.constant 0 : i32
      %dma_start3A_108 = tpu.memref_slice %arg8[%add3A_106, %dma_start3A_107] : memref<50x200xi32, #tpu.memory_space<vmem>> -> memref<1x200xi32, #tpu.memory_space<vmem>>
      %dma_start3A_109 = tpu.memref_squeeze %dma_start3A_108 : memref<1x200xi32, #tpu.memory_space<vmem>> -> memref<200xi32, #tpu.memory_space<vmem>>
      %dma_start3A_110 = arith.constant 0 : i32
      %dma_start3A_111 = arith.constant 0 : i32
      %dma_start3A_112 = tpu.memref_slice %arg2[%dma_start3A_110, %dma_start3A_111] : memref<10000x64xf32, #tpu.memory_space<hbm>> -> memref<10000x64xf32, #tpu.memory_space<hbm>>
      tpu.enqueue_indirect_dma source(%dma_start3A_112 : memref<10000x64xf32, #tpu.memory_space<hbm>>) target(%arg12 : memref<200x64xf32, #tpu.memory_space<vmem>>) offsets(%dma_start3A_109 : memref<200xi32, #tpu.memory_space<vmem>>) semaphore(%arg18 : memref<!tpu.dma_semaphore, #tpu.memory_space<semaphore_mem>>)
      %add3A_113 = arith.constant 2 : i32
      %add3A_114 = arith.addi %mul3A_61, %add3A_113 : i32
      %dma_wait3A_115 = arith.constant 0 : i32
      %dma_wait3A_116 = tpu.memref_slice %arg8[%add3A_114, %dma_wait3A_115] : memref<50x200xi32, #tpu.memory_space<vmem>> -> memref<1x200xi32, #tpu.memory_space<vmem>>
      %dma_wait3A_117 = tpu.memref_squeeze %dma_wait3A_116 : memref<1x200xi32, #tpu.memory_space<vmem>> -> memref<200xi32, #tpu.memory_space<vmem>>
      %dma_wait3A_118 = arith.constant 0 : i32
      %dma_wait3A_119 = arith.constant 0 : i32
      %dma_wait3A_120 = tpu.memref_slice %arg2[%dma_wait3A_118, %dma_wait3A_119] : memref<10000x64xf32, #tpu.memory_space<hbm>> -> memref<10000x64xf32, #tpu.memory_space<hbm>>
      tpu.wait_indirect_dma semaphore(%arg17 : memref<!tpu.dma_semaphore, #tpu.memory_space<semaphore_mem>>) src(%dma_wait3A_120 : memref<10000x64xf32, #tpu.memory_space<hbm>>) dst(%arg11 : memref<200x64xf32, #tpu.memory_space<vmem>>)
      %dma_start3A_121 = arith.constant 0 : i32
      %dma_start3A_122 = tpu.memref_slice %arg7[%add3A_114, %dma_start3A_121] : memref<50x200xi32, #tpu.memory_space<vmem>> -> memref<1x200xi32, #tpu.memory_space<vmem>>
      %dma_start3A_123 = tpu.memref_squeeze %dma_start3A_122 : memref<1x200xi32, #tpu.memory_space<vmem>> -> memref<200xi32, #tpu.memory_space<vmem>>
      %dma_start3A_124 = arith.constant 0 : i32
      %dma_start3A_125 = arith.constant 0 : i32
      %dma_start3A_126 = tpu.memref_slice %arg14[%dma_start3A_124, %dma_start3A_125] : memref<10240x64xf32, #tpu.memory_space<vmem_shared>> -> memref<10240x64xf32, #tpu.memory_space<vmem_shared>>
      tpu.enqueue_indirect_dma source(%arg11 : memref<200x64xf32, #tpu.memory_space<vmem>>) target(%dma_start3A_126 : memref<10240x64xf32, #tpu.memory_space<vmem_shared>>) offsets(%dma_start3A_123 : memref<200xi32, #tpu.memory_space<vmem>>) semaphore(%arg22 : memref<!tpu.dma_semaphore, #tpu.memory_space<semaphore_mem>>) {add = true}
      %gt3A_127 = arith.constant 0 : i32
      %gt3A_128 = arith.cmpi sgt, %add3A_59, %gt3A_127 : i32
      %convert_element_type3A_129 = arith.extui %gt3A_128 : i1 to i32
      %cond3A_130 = arith.constant 0 : i32
      %cond3A_131 = arith.cmpi ne, %convert_element_type3A_129, %cond3A_130 : i32
      scf.if %cond3A_131 {
        %add3A_181 = arith.constant 2 : i32
        %add3A_182 = arith.addi %add3A_114, %add3A_181 : i32
        %sub3A = arith.constant 5 : i32
        %sub3A_183 = arith.subi %add3A_182, %sub3A : i32
        %dma_wait3A_184 = arith.constant 0 : i32
        %dma_wait3A_185 = tpu.memref_slice %arg7[%sub3A_183, %dma_wait3A_184] : memref<50x200xi32, #tpu.memory_space<vmem>> -> memref<1x200xi32, #tpu.memory_space<vmem>>
        %dma_wait3A_186 = tpu.memref_squeeze %dma_wait3A_185 : memref<1x200xi32, #tpu.memory_space<vmem>> -> memref<200xi32, #tpu.memory_space<vmem>>
        %dma_wait3A_187 = arith.constant 0 : i32
        %dma_wait3A_188 = arith.constant 0 : i32
        %dma_wait3A_189 = tpu.memref_slice %arg14[%dma_wait3A_187, %dma_wait3A_188] : memref<10240x64xf32, #tpu.memory_space<vmem_shared>> -> memref<10240x64xf32, #tpu.memory_space<vmem_shared>>
        tpu.wait_indirect_dma semaphore(%arg24 : memref<!tpu.dma_semaphore, #tpu.memory_space<semaphore_mem>>) src(%arg13 : memref<200x64xf32, #tpu.memory_space<vmem>>) dst(%dma_wait3A_189 : memref<10240x64xf32, #tpu.memory_space<vmem_shared>>)
      } else {
      }
      %add3A_132 = arith.constant 2 : i32
      %add3A_133 = arith.addi %add3A_114, %add3A_132 : i32
      %dma_start3A_134 = arith.constant 0 : i32
      %dma_start3A_135 = tpu.memref_slice %arg8[%add3A_133, %dma_start3A_134] : memref<50x200xi32, #tpu.memory_space<vmem>> -> memref<1x200xi32, #tpu.memory_space<vmem>>
      %dma_start3A_136 = tpu.memref_squeeze %dma_start3A_135 : memref<1x200xi32, #tpu.memory_space<vmem>> -> memref<200xi32, #tpu.memory_space<vmem>>
      %dma_start3A_137 = arith.constant 0 : i32
      %dma_start3A_138 = arith.constant 0 : i32
      %dma_start3A_139 = tpu.memref_slice %arg2[%dma_start3A_137, %dma_start3A_138] : memref<10000x64xf32, #tpu.memory_space<hbm>> -> memref<10000x64xf32, #tpu.memory_space<hbm>>
      tpu.enqueue_indirect_dma source(%dma_start3A_139 : memref<10000x64xf32, #tpu.memory_space<hbm>>) target(%arg13 : memref<200x64xf32, #tpu.memory_space<vmem>>) offsets(%dma_start3A_136 : memref<200xi32, #tpu.memory_space<vmem>>) semaphore(%arg19 : memref<!tpu.dma_semaphore, #tpu.memory_space<semaphore_mem>>)
      %add3A_140 = arith.constant 3 : i32
      %add3A_141 = arith.addi %mul3A_61, %add3A_140 : i32
      %dma_wait3A_142 = arith.constant 0 : i32
      %dma_wait3A_143 = tpu.memref_slice %arg8[%add3A_141, %dma_wait3A_142] : memref<50x200xi32, #tpu.memory_space<vmem>> -> memref<1x200xi32, #tpu.memory_space<vmem>>
      %dma_wait3A_144 = tpu.memref_squeeze %dma_wait3A_143 : memref<1x200xi32, #tpu.memory_space<vmem>> -> memref<200xi32, #tpu.memory_space<vmem>>
      %dma_wait3A_145 = arith.constant 0 : i32
      %dma_wait3A_146 = arith.constant 0 : i32
      %dma_wait3A_147 = tpu.memref_slice %arg2[%dma_wait3A_145, %dma_wait3A_146] : memref<10000x64xf32, #tpu.memory_space<hbm>> -> memref<10000x64xf32, #tpu.memory_space<hbm>>
      tpu.wait_indirect_dma semaphore(%arg18 : memref<!tpu.dma_semaphore, #tpu.memory_space<semaphore_mem>>) src(%dma_wait3A_147 : memref<10000x64xf32, #tpu.memory_space<hbm>>) dst(%arg12 : memref<200x64xf32, #tpu.memory_space<vmem>>)
      %dma_start3A_148 = arith.constant 0 : i32
      %dma_start3A_149 = tpu.memref_slice %arg7[%add3A_141, %dma_start3A_148] : memref<50x200xi32, #tpu.memory_space<vmem>> -> memref<1x200xi32, #tpu.memory_space<vmem>>
      %dma_start3A_150 = tpu.memref_squeeze %dma_start3A_149 : memref<1x200xi32, #tpu.memory_space<vmem>> -> memref<200xi32, #tpu.memory_space<vmem>>
      %dma_start3A_151 = arith.constant 0 : i32
      %dma_start3A_152 = arith.constant 0 : i32
      %dma_start3A_153 = tpu.memref_slice %arg14[%dma_start3A_151, %dma_start3A_152] : memref<10240x64xf32, #tpu.memory_space<vmem_shared>> -> memref<10240x64xf32, #tpu.memory_space<vmem_shared>>
      tpu.enqueue_indirect_dma source(%arg12 : memref<200x64xf32, #tpu.memory_space<vmem>>) target(%dma_start3A_153 : memref<10240x64xf32, #tpu.memory_space<vmem_shared>>) offsets(%dma_start3A_150 : memref<200xi32, #tpu.memory_space<vmem>>) semaphore(%arg23 : memref<!tpu.dma_semaphore, #tpu.memory_space<semaphore_mem>>) {add = true}
      %add3A_154 = arith.constant 2 : i32
      %add3A_155 = arith.addi %add3A_141, %add3A_154 : i32
      %lt3A = arith.constant 50 : i32
      %lt3A_156 = arith.cmpi slt, %add3A_155, %lt3A : i32
      %convert_element_type3A_157 = arith.extui %lt3A_156 : i1 to i32
      %cond3A_158 = arith.constant 0 : i32
      %cond3A_159 = arith.cmpi ne, %convert_element_type3A_157, %cond3A_158 : i32
      scf.if %cond3A_159 {
        %add3A_181 = arith.constant 2 : i32
        %add3A_182 = arith.addi %add3A_141, %add3A_181 : i32
        %sub3A = arith.constant 5 : i32
        %sub3A_183 = arith.subi %add3A_182, %sub3A : i32
        %dma_wait3A_184 = arith.constant 0 : i32
        %dma_wait3A_185 = tpu.memref_slice %arg7[%sub3A_183, %dma_wait3A_184] : memref<50x200xi32, #tpu.memory_space<vmem>> -> memref<1x200xi32, #tpu.memory_space<vmem>>
        %dma_wait3A_186 = tpu.memref_squeeze %dma_wait3A_185 : memref<1x200xi32, #tpu.memory_space<vmem>> -> memref<200xi32, #tpu.memory_space<vmem>>
        %dma_wait3A_187 = arith.constant 0 : i32
        %dma_wait3A_188 = arith.constant 0 : i32
        %dma_wait3A_189 = tpu.memref_slice %arg14[%dma_wait3A_187, %dma_wait3A_188] : memref<10240x64xf32, #tpu.memory_space<vmem_shared>> -> memref<10240x64xf32, #tpu.memory_space<vmem_shared>>
        tpu.wait_indirect_dma semaphore(%arg20 : memref<!tpu.dma_semaphore, #tpu.memory_space<semaphore_mem>>) src(%arg9 : memref<200x64xf32, #tpu.memory_space<vmem>>) dst(%dma_wait3A_189 : memref<10240x64xf32, #tpu.memory_space<vmem_shared>>)
        %add3A_190 = arith.constant 2 : i32
        %add3A_191 = arith.addi %add3A_141, %add3A_190 : i32
        %dma_start3A_192 = arith.constant 0 : i32
        %dma_start3A_193 = tpu.memref_slice %arg8[%add3A_191, %dma_start3A_192] : memref<50x200xi32, #tpu.memory_space<vmem>> -> memref<1x200xi32, #tpu.memory_space<vmem>>
        %dma_start3A_194 = tpu.memref_squeeze %dma_start3A_193 : memref<1x200xi32, #tpu.memory_space<vmem>> -> memref<200xi32, #tpu.memory_space<vmem>>
        %dma_start3A_195 = arith.constant 0 : i32
        %dma_start3A_196 = arith.constant 0 : i32
        %dma_start3A_197 = tpu.memref_slice %arg2[%dma_start3A_195, %dma_start3A_196] : memref<10000x64xf32, #tpu.memory_space<hbm>> -> memref<10000x64xf32, #tpu.memory_space<hbm>>
        tpu.enqueue_indirect_dma source(%dma_start3A_197 : memref<10000x64xf32, #tpu.memory_space<hbm>>) target(%arg9 : memref<200x64xf32, #tpu.memory_space<vmem>>) offsets(%dma_start3A_194 : memref<200xi32, #tpu.memory_space<vmem>>) semaphore(%arg15 : memref<!tpu.dma_semaphore, #tpu.memory_space<semaphore_mem>>)
      } else {
      }
      %add3A_160 = arith.constant 4 : i32
      %add3A_161 = arith.addi %mul3A_61, %add3A_160 : i32
      %dma_wait3A_162 = arith.constant 0 : i32
      %dma_wait3A_163 = tpu.memref_slice %arg8[%add3A_161, %dma_wait3A_162] : memref<50x200xi32, #tpu.memory_space<vmem>> -> memref<1x200xi32, #tpu.memory_space<vmem>>
      %dma_wait3A_164 = tpu.memref_squeeze %dma_wait3A_163 : memref<1x200xi32, #tpu.memory_space<vmem>> -> memref<200xi32, #tpu.memory_space<vmem>>
      %dma_wait3A_165 = arith.constant 0 : i32
      %dma_wait3A_166 = arith.constant 0 : i32
      %dma_wait3A_167 = tpu.memref_slice %arg2[%dma_wait3A_165, %dma_wait3A_166] : memref<10000x64xf32, #tpu.memory_space<hbm>> -> memref<10000x64xf32, #tpu.memory_space<hbm>>
      tpu.wait_indirect_dma semaphore(%arg19 : memref<!tpu.dma_semaphore, #tpu.memory_space<semaphore_mem>>) src(%dma_wait3A_167 : memref<10000x64xf32, #tpu.memory_space<hbm>>) dst(%arg13 : memref<200x64xf32, #tpu.memory_space<vmem>>)
      %dma_start3A_168 = arith.constant 0 : i32
      %dma_start3A_169 = tpu.memref_slice %arg7[%add3A_161, %dma_start3A_168] : memref<50x200xi32, #tpu.memory_space<vmem>> -> memref<1x200xi32, #tpu.memory_space<vmem>>
      %dma_start3A_170 = tpu.memref_squeeze %dma_start3A_169 : memref<1x200xi32, #tpu.memory_space<vmem>> -> memref<200xi32, #tpu.memory_space<vmem>>
      %dma_start3A_171 = arith.constant 0 : i32
      %dma_start3A_172 = arith.constant 0 : i32
      %dma_start3A_173 = tpu.memref_slice %arg14[%dma_start3A_171, %dma_start3A_172] : memref<10240x64xf32, #tpu.memory_space<vmem_shared>> -> memref<10240x64xf32, #tpu.memory_space<vmem_shared>>
      tpu.enqueue_indirect_dma source(%arg13 : memref<200x64xf32, #tpu.memory_space<vmem>>) target(%dma_start3A_173 : memref<10240x64xf32, #tpu.memory_space<vmem_shared>>) offsets(%dma_start3A_170 : memref<200xi32, #tpu.memory_space<vmem>>) semaphore(%arg24 : memref<!tpu.dma_semaphore, #tpu.memory_space<semaphore_mem>>) {add = true}
      %add3A_174 = arith.constant 2 : i32
      %add3A_175 = arith.addi %add3A_161, %add3A_174 : i32
      %lt3A_176 = arith.constant 50 : i32
      %lt3A_177 = arith.cmpi slt, %add3A_175, %lt3A_176 : i32
      %convert_element_type3A_178 = arith.extui %lt3A_177 : i1 to i32
      %cond3A_179 = arith.constant 0 : i32
      %cond3A_180 = arith.cmpi ne, %convert_element_type3A_178, %cond3A_179 : i32
      scf.if %cond3A_180 {
        %add3A_181 = arith.constant 2 : i32
        %add3A_182 = arith.addi %add3A_161, %add3A_181 : i32
        %sub3A = arith.constant 5 : i32
        %sub3A_183 = arith.subi %add3A_182, %sub3A : i32
        %dma_wait3A_184 = arith.constant 0 : i32
        %dma_wait3A_185 = tpu.memref_slice %arg7[%sub3A_183, %dma_wait3A_184] : memref<50x200xi32, #tpu.memory_space<vmem>> -> memref<1x200xi32, #tpu.memory_space<vmem>>
        %dma_wait3A_186 = tpu.memref_squeeze %dma_wait3A_185 : memref<1x200xi32, #tpu.memory_space<vmem>> -> memref<200xi32, #tpu.memory_space<vmem>>
        %dma_wait3A_187 = arith.constant 0 : i32
        %dma_wait3A_188 = arith.constant 0 : i32
        %dma_wait3A_189 = tpu.memref_slice %arg14[%dma_wait3A_187, %dma_wait3A_188] : memref<10240x64xf32, #tpu.memory_space<vmem_shared>> -> memref<10240x64xf32, #tpu.memory_space<vmem_shared>>
        tpu.wait_indirect_dma semaphore(%arg21 : memref<!tpu.dma_semaphore, #tpu.memory_space<semaphore_mem>>) src(%arg10 : memref<200x64xf32, #tpu.memory_space<vmem>>) dst(%dma_wait3A_189 : memref<10240x64xf32, #tpu.memory_space<vmem_shared>>)
        %add3A_190 = arith.constant 2 : i32
        %add3A_191 = arith.addi %add3A_161, %add3A_190 : i32
        %dma_start3A_192 = arith.constant 0 : i32
        %dma_start3A_193 = tpu.memref_slice %arg8[%add3A_191, %dma_start3A_192] : memref<50x200xi32, #tpu.memory_space<vmem>> -> memref<1x200xi32, #tpu.memory_space<vmem>>
        %dma_start3A_194 = tpu.memref_squeeze %dma_start3A_193 : memref<1x200xi32, #tpu.memory_space<vmem>> -> memref<200xi32, #tpu.memory_space<vmem>>
        %dma_start3A_195 = arith.constant 0 : i32
        %dma_start3A_196 = arith.constant 0 : i32
        %dma_start3A_197 = tpu.memref_slice %arg2[%dma_start3A_195, %dma_start3A_196] : memref<10000x64xf32, #tpu.memory_space<hbm>> -> memref<10000x64xf32, #tpu.memory_space<hbm>>
        tpu.enqueue_indirect_dma source(%dma_start3A_197 : memref<10000x64xf32, #tpu.memory_space<hbm>>) target(%arg10 : memref<200x64xf32, #tpu.memory_space<vmem>>) offsets(%dma_start3A_194 : memref<200xi32, #tpu.memory_space<vmem>>) semaphore(%arg16 : memref<!tpu.dma_semaphore, #tpu.memory_space<semaphore_mem>>)
      } else {
      }
    }
    %scan3A_19 = arith.constant 10 : i32
    %dma_wait3A = arith.constant 45 : i32
    %dma_wait3A_20 = arith.constant 0 : i32
    %dma_wait3A_21 = tpu.memref_slice %arg7[%dma_wait3A, %dma_wait3A_20] : memref<50x200xi32, #tpu.memory_space<vmem>> -> memref<1x200xi32, #tpu.memory_space<vmem>>
    %dma_wait3A_22 = tpu.memref_squeeze %dma_wait3A_21 : memref<1x200xi32, #tpu.memory_space<vmem>> -> memref<200xi32, #tpu.memory_space<vmem>>
    %dma_wait3A_23 = arith.constant 0 : i32
    %dma_wait3A_24 = arith.constant 0 : i32
    %dma_wait3A_25 = tpu.memref_slice %arg14[%dma_wait3A_23, %dma_wait3A_24] : memref<10240x64xf32, #tpu.memory_space<vmem_shared>> -> memref<10240x64xf32, #tpu.memory_space<vmem_shared>>
    tpu.wait_indirect_dma semaphore(%arg20 : memref<!tpu.dma_semaphore, #tpu.memory_space<semaphore_mem>>) src(%arg9 : memref<200x64xf32, #tpu.memory_space<vmem>>) dst(%dma_wait3A_25 : memref<10240x64xf32, #tpu.memory_space<vmem_shared>>)
    %dma_wait3A_26 = arith.constant 46 : i32
    %dma_wait3A_27 = arith.constant 0 : i32
    %dma_wait3A_28 = tpu.memref_slice %arg7[%dma_wait3A_26, %dma_wait3A_27] : memref<50x200xi32, #tpu.memory_space<vmem>> -> memref<1x200xi32, #tpu.memory_space<vmem>>
    %dma_wait3A_29 = tpu.memref_squeeze %dma_wait3A_28 : memref<1x200xi32, #tpu.memory_space<vmem>> -> memref<200xi32, #tpu.memory_space<vmem>>
    %dma_wait3A_30 = arith.constant 0 : i32
    %dma_wait3A_31 = arith.constant 0 : i32
    %dma_wait3A_32 = tpu.memref_slice %arg14[%dma_wait3A_30, %dma_wait3A_31] : memref<10240x64xf32, #tpu.memory_space<vmem_shared>> -> memref<10240x64xf32, #tpu.memory_space<vmem_shared>>
    tpu.wait_indirect_dma semaphore(%arg21 : memref<!tpu.dma_semaphore, #tpu.memory_space<semaphore_mem>>) src(%arg10 : memref<200x64xf32, #tpu.memory_space<vmem>>) dst(%dma_wait3A_32 : memref<10240x64xf32, #tpu.memory_space<vmem_shared>>)
    %dma_wait3A_33 = arith.constant 47 : i32
    %dma_wait3A_34 = arith.constant 0 : i32
    %dma_wait3A_35 = tpu.memref_slice %arg7[%dma_wait3A_33, %dma_wait3A_34] : memref<50x200xi32, #tpu.memory_space<vmem>> -> memref<1x200xi32, #tpu.memory_space<vmem>>
    %dma_wait3A_36 = tpu.memref_squeeze %dma_wait3A_35 : memref<1x200xi32, #tpu.memory_space<vmem>> -> memref<200xi32, #tpu.memory_space<vmem>>
    %dma_wait3A_37 = arith.constant 0 : i32
    %dma_wait3A_38 = arith.constant 0 : i32
    %dma_wait3A_39 = tpu.memref_slice %arg14[%dma_wait3A_37, %dma_wait3A_38] : memref<10240x64xf32, #tpu.memory_space<vmem_shared>> -> memref<10240x64xf32, #tpu.memory_space<vmem_shared>>
    tpu.wait_indirect_dma semaphore(%arg22 : memref<!tpu.dma_semaphore, #tpu.memory_space<semaphore_mem>>) src(%arg11 : memref<200x64xf32, #tpu.memory_space<vmem>>) dst(%dma_wait3A_39 : memref<10240x64xf32, #tpu.memory_space<vmem_shared>>)
    %dma_wait3A_40 = arith.constant 48 : i32
    %dma_wait3A_41 = arith.constant 0 : i32
    %dma_wait3A_42 = tpu.memref_slice %arg7[%dma_wait3A_40, %dma_wait3A_41] : memref<50x200xi32, #tpu.memory_space<vmem>> -> memref<1x200xi32, #tpu.memory_space<vmem>>
    %dma_wait3A_43 = tpu.memref_squeeze %dma_wait3A_42 : memref<1x200xi32, #tpu.memory_space<vmem>> -> memref<200xi32, #tpu.memory_space<vmem>>
    %dma_wait3A_44 = arith.constant 0 : i32
    %dma_wait3A_45 = arith.constant 0 : i32
    %dma_wait3A_46 = tpu.memref_slice %arg14[%dma_wait3A_44, %dma_wait3A_45] : memref<10240x64xf32, #tpu.memory_space<vmem_shared>> -> memref<10240x64xf32, #tpu.memory_space<vmem_shared>>
    tpu.wait_indirect_dma semaphore(%arg23 : memref<!tpu.dma_semaphore, #tpu.memory_space<semaphore_mem>>) src(%arg12 : memref<200x64xf32, #tpu.memory_space<vmem>>) dst(%dma_wait3A_46 : memref<10240x64xf32, #tpu.memory_space<vmem_shared>>)
    %dma_wait3A_47 = arith.constant 49 : i32
    %dma_wait3A_48 = arith.constant 0 : i32
    %dma_wait3A_49 = tpu.memref_slice %arg7[%dma_wait3A_47, %dma_wait3A_48] : memref<50x200xi32, #tpu.memory_space<vmem>> -> memref<1x200xi32, #tpu.memory_space<vmem>>
    %dma_wait3A_50 = tpu.memref_squeeze %dma_wait3A_49 : memref<1x200xi32, #tpu.memory_space<vmem>> -> memref<200xi32, #tpu.memory_space<vmem>>
    %dma_wait3A_51 = arith.constant 0 : i32
    %dma_wait3A_52 = arith.constant 0 : i32
    %dma_wait3A_53 = tpu.memref_slice %arg14[%dma_wait3A_51, %dma_wait3A_52] : memref<10240x64xf32, #tpu.memory_space<vmem_shared>> -> memref<10240x64xf32, #tpu.memory_space<vmem_shared>>
    tpu.wait_indirect_dma semaphore(%arg24 : memref<!tpu.dma_semaphore, #tpu.memory_space<semaphore_mem>>) src(%arg13 : memref<200x64xf32, #tpu.memory_space<vmem>>) dst(%dma_wait3A_53 : memref<10240x64xf32, #tpu.memory_space<vmem_shared>>)
    %barrier3A_54 = arith.constant 0 : index
    tpu.barrier barrier_id(%barrier3A_54)
    "tpu.region"() ({
      %run_scoped3A = tpu.sem_alloc : memref<!tpu.dma_semaphore, #tpu.memory_space<semaphore_mem>>
      %dma_start3A_55 = arith.constant 0 : i32
      %dma_start3A_56 = tpu.memref_slice %arg6[%arg0, %mul3A_2, %dma_start3A_55] : memref<2x10240x64xf32, #tpu.memory_space<hbm>> -> memref<1x640x64xf32, #tpu.memory_space<hbm>>
      %dma_start3A_57 = tpu.memref_squeeze %dma_start3A_56 : memref<1x640x64xf32, #tpu.memory_space<hbm>> -> memref<640x64xf32, #tpu.memory_space<hbm>>
      %dma_start3A_58 = arith.constant 0 : i32
      %dma_start3A_59 = tpu.memref_slice %arg14[%mul3A_2, %dma_start3A_58] : memref<10240x64xf32, #tpu.memory_space<vmem_shared>> -> memref<640x64xf32, #tpu.memory_space<vmem_shared>>
      tpu.enqueue_dma source(%dma_start3A_59 : memref<640x64xf32, #tpu.memory_space<vmem_shared>>) target(%dma_start3A_57 : memref<640x64xf32, #tpu.memory_space<hbm>>) target_semaphore(%run_scoped3A : memref<!tpu.dma_semaphore, #tpu.memory_space<semaphore_mem>>)
      %dma_wait3A_60 = arith.constant 0 : i32
      %dma_wait3A_61 = tpu.memref_slice %arg6[%arg0, %mul3A_2, %dma_wait3A_60] : memref<2x10240x64xf32, #tpu.memory_space<hbm>> -> memref<1x640x64xf32, #tpu.memory_space<hbm>>
      %dma_wait3A_62 = tpu.memref_squeeze %dma_wait3A_61 : memref<1x640x64xf32, #tpu.memory_space<hbm>> -> memref<640x64xf32, #tpu.memory_space<hbm>>
      %dma_wait3A_63 = arith.constant 0 : i32
      %dma_wait3A_64 = tpu.memref_slice %arg14[%mul3A_2, %dma_wait3A_63] : memref<10240x64xf32, #tpu.memory_space<vmem_shared>> -> memref<640x64xf32, #tpu.memory_space<vmem_shared>>
      tpu.wait_dma2 semaphore(%run_scoped3A : memref<!tpu.dma_semaphore, #tpu.memory_space<semaphore_mem>>) src(%dma_wait3A_64 : memref<640x64xf32, #tpu.memory_space<vmem_shared>>) dst(%dma_wait3A_62 : memref<640x64xf32, #tpu.memory_space<hbm>>)
      tpu.yield
    }) : () -> ()
    return
  }
}

#map = affine_map<(d0, d1) -> (0, 0)>
#map1 = affine_map<(d0, d1) -> (0, 0, 0)>
module attributes {stable_mosaic.version = 14 : i64} {
  func.func @edge_pass(%arg0: i32, %arg1: i32, %arg2: memref<10000x16xf32, #tpu.memory_space<hbm>>, %arg3: memref<32x50x200xi32, #tpu.memory_space<hbm>>, %arg4: memref<32x50x200xi32, #tpu.memory_space<hbm>>, %arg5: memref<10240x16xf32, #tpu.memory_space<hbm>>, %arg6: memref<2x10240x16xf32, #tpu.memory_space<hbm>>, %arg7: memref<50x200xi32, #tpu.memory_space<vmem>>, %arg8: memref<50x200xi32, #tpu.memory_space<vmem>>, %arg9: memref<200x16xf32, #tpu.memory_space<vmem>>, %arg10: memref<200x16xf32, #tpu.memory_space<vmem>>, %arg11: memref<200x16xf32, #tpu.memory_space<vmem>>, %arg12: memref<200x16xf32, #tpu.memory_space<vmem>>, %arg13: memref<200x16xf32, #tpu.memory_space<vmem>>, %arg14: memref<10240x16xf32, #tpu.memory_space<vmem_shared>>, %arg15: memref<!tpu.dma_semaphore, #tpu.memory_space<semaphore_mem>>, %arg16: memref<!tpu.dma_semaphore, #tpu.memory_space<semaphore_mem>>, %arg17: memref<!tpu.dma_semaphore, #tpu.memory_space<semaphore_mem>>, %arg18: memref<!tpu.dma_semaphore, #tpu.memory_space<semaphore_mem>>, %arg19: memref<!tpu.dma_semaphore, #tpu.memory_space<semaphore_mem>>, %arg20: memref<!tpu.dma_semaphore, #tpu.memory_space<semaphore_mem>>, %arg21: memref<!tpu.dma_semaphore, #tpu.memory_space<semaphore_mem>>, %arg22: memref<!tpu.dma_semaphore, #tpu.memory_space<semaphore_mem>>, %arg23: memref<!tpu.dma_semaphore, #tpu.memory_space<semaphore_mem>>, %arg24: memref<!tpu.dma_semaphore, #tpu.memory_space<semaphore_mem>>) attributes {dimension_semantics = [#tpu.dimension_semantics<core_parallel>, #tpu.dimension_semantics<subcore_parallel>], iteration_bounds = array<i64: 2, 16>, scalar_prefetch = 0 : i64, scratch_operands = 18 : i64, tpu.core_type = #tpu.core_type<sc_vector_subcore>, window_params = [{transform_indices = #map}, {transform_indices = #map1}, {transform_indices = #map1}, {transform_indices = #map}, {transform_indices = #map1}]} {
    %mul3A = arith.constant 16 : i32
    %mul3A_0 = arith.muli %arg0, %mul3A : i32
    %add3A = arith.addi %mul3A_0, %arg1 : i32
    "tpu.region"() ({
      %run_scoped3A = tpu.sem_alloc : memref<!tpu.dma_semaphore, #tpu.memory_space<semaphore_mem>>
      %dma_start3A_55 = arith.constant 0 : i32
      %dma_start3A_56 = arith.constant 0 : i32
      %dma_start3A_57 = tpu.memref_slice %arg4[%add3A, %dma_start3A_55, %dma_start3A_56] : memref<32x50x200xi32, #tpu.memory_space<hbm>> -> memref<1x50x200xi32, #tpu.memory_space<hbm>>
      %dma_start3A_58 = tpu.memref_squeeze %dma_start3A_57 : memref<1x50x200xi32, #tpu.memory_space<hbm>> -> memref<50x200xi32, #tpu.memory_space<hbm>>
      %dma_start3A_59 = arith.constant 0 : i32
      %dma_start3A_60 = arith.constant 0 : i32
      %dma_start3A_61 = tpu.memref_slice %arg4[%add3A, %dma_start3A_59, %dma_start3A_60] : memref<32x50x200xi32, #tpu.memory_space<hbm>> -> memref<1x50x200xi32, #tpu.memory_space<hbm>>
      %dma_start3A_62 = tpu.memref_squeeze %dma_start3A_61 : memref<1x50x200xi32, #tpu.memory_space<hbm>> -> memref<50x200xi32, #tpu.memory_space<hbm>>
      tpu.enqueue_dma source(%dma_start3A_62 : memref<50x200xi32, #tpu.memory_space<hbm>>) target(%arg7 : memref<50x200xi32, #tpu.memory_space<vmem>>) target_semaphore(%run_scoped3A : memref<!tpu.dma_semaphore, #tpu.memory_space<semaphore_mem>>)
      %dma_wait3A_63 = arith.constant 0 : i32
      %dma_wait3A_64 = arith.constant 0 : i32
      %dma_wait3A_65 = tpu.memref_slice %arg4[%add3A, %dma_wait3A_63, %dma_wait3A_64] : memref<32x50x200xi32, #tpu.memory_space<hbm>> -> memref<1x50x200xi32, #tpu.memory_space<hbm>>
      %dma_wait3A_66 = tpu.memref_squeeze %dma_wait3A_65 : memref<1x50x200xi32, #tpu.memory_space<hbm>> -> memref<50x200xi32, #tpu.memory_space<hbm>>
      %dma_wait3A_67 = arith.constant 0 : i32
      %dma_wait3A_68 = arith.constant 0 : i32
      %dma_wait3A_69 = tpu.memref_slice %arg4[%add3A, %dma_wait3A_67, %dma_wait3A_68] : memref<32x50x200xi32, #tpu.memory_space<hbm>> -> memref<1x50x200xi32, #tpu.memory_space<hbm>>
      %dma_wait3A_70 = tpu.memref_squeeze %dma_wait3A_69 : memref<1x50x200xi32, #tpu.memory_space<hbm>> -> memref<50x200xi32, #tpu.memory_space<hbm>>
      tpu.wait_dma2 semaphore(%run_scoped3A : memref<!tpu.dma_semaphore, #tpu.memory_space<semaphore_mem>>) src(%dma_wait3A_70 : memref<50x200xi32, #tpu.memory_space<hbm>>) dst(%arg7 : memref<50x200xi32, #tpu.memory_space<vmem>>)
      tpu.yield
    }) : () -> ()
    "tpu.region"() ({
      %run_scoped3A = tpu.sem_alloc : memref<!tpu.dma_semaphore, #tpu.memory_space<semaphore_mem>>
      %dma_start3A_55 = arith.constant 0 : i32
      %dma_start3A_56 = arith.constant 0 : i32
      %dma_start3A_57 = tpu.memref_slice %arg3[%add3A, %dma_start3A_55, %dma_start3A_56] : memref<32x50x200xi32, #tpu.memory_space<hbm>> -> memref<1x50x200xi32, #tpu.memory_space<hbm>>
      %dma_start3A_58 = tpu.memref_squeeze %dma_start3A_57 : memref<1x50x200xi32, #tpu.memory_space<hbm>> -> memref<50x200xi32, #tpu.memory_space<hbm>>
      %dma_start3A_59 = arith.constant 0 : i32
      %dma_start3A_60 = arith.constant 0 : i32
      %dma_start3A_61 = tpu.memref_slice %arg3[%add3A, %dma_start3A_59, %dma_start3A_60] : memref<32x50x200xi32, #tpu.memory_space<hbm>> -> memref<1x50x200xi32, #tpu.memory_space<hbm>>
      %dma_start3A_62 = tpu.memref_squeeze %dma_start3A_61 : memref<1x50x200xi32, #tpu.memory_space<hbm>> -> memref<50x200xi32, #tpu.memory_space<hbm>>
      tpu.enqueue_dma source(%dma_start3A_62 : memref<50x200xi32, #tpu.memory_space<hbm>>) target(%arg8 : memref<50x200xi32, #tpu.memory_space<vmem>>) target_semaphore(%run_scoped3A : memref<!tpu.dma_semaphore, #tpu.memory_space<semaphore_mem>>)
      %dma_wait3A_63 = arith.constant 0 : i32
      %dma_wait3A_64 = arith.constant 0 : i32
      %dma_wait3A_65 = tpu.memref_slice %arg3[%add3A, %dma_wait3A_63, %dma_wait3A_64] : memref<32x50x200xi32, #tpu.memory_space<hbm>> -> memref<1x50x200xi32, #tpu.memory_space<hbm>>
      %dma_wait3A_66 = tpu.memref_squeeze %dma_wait3A_65 : memref<1x50x200xi32, #tpu.memory_space<hbm>> -> memref<50x200xi32, #tpu.memory_space<hbm>>
      %dma_wait3A_67 = arith.constant 0 : i32
      %dma_wait3A_68 = arith.constant 0 : i32
      %dma_wait3A_69 = tpu.memref_slice %arg3[%add3A, %dma_wait3A_67, %dma_wait3A_68] : memref<32x50x200xi32, #tpu.memory_space<hbm>> -> memref<1x50x200xi32, #tpu.memory_space<hbm>>
      %dma_wait3A_70 = tpu.memref_squeeze %dma_wait3A_69 : memref<1x50x200xi32, #tpu.memory_space<hbm>> -> memref<50x200xi32, #tpu.memory_space<hbm>>
      tpu.wait_dma2 semaphore(%run_scoped3A : memref<!tpu.dma_semaphore, #tpu.memory_space<semaphore_mem>>) src(%dma_wait3A_70 : memref<50x200xi32, #tpu.memory_space<hbm>>) dst(%arg8 : memref<50x200xi32, #tpu.memory_space<vmem>>)
      tpu.yield
    }) : () -> ()
    %mul3A_1 = arith.constant 640 : i32
    %mul3A_2 = arith.muli %arg1, %mul3A_1 : i32
    "tpu.region"() ({
      %run_scoped3A = tpu.sem_alloc : memref<!tpu.dma_semaphore, #tpu.memory_space<semaphore_mem>>
      %dma_start3A_55 = arith.constant 0 : i32
      %dma_start3A_56 = tpu.memref_slice %arg14[%mul3A_2, %dma_start3A_55] : memref<10240x16xf32, #tpu.memory_space<vmem_shared>> -> memref<640x16xf32, #tpu.memory_space<vmem_shared>>
      %dma_start3A_57 = arith.constant 0 : i32
      %dma_start3A_58 = tpu.memref_slice %arg5[%mul3A_2, %dma_start3A_57] : memref<10240x16xf32, #tpu.memory_space<hbm>> -> memref<640x16xf32, #tpu.memory_space<hbm>>
      tpu.enqueue_dma source(%dma_start3A_58 : memref<640x16xf32, #tpu.memory_space<hbm>>) target(%dma_start3A_56 : memref<640x16xf32, #tpu.memory_space<vmem_shared>>) target_semaphore(%run_scoped3A : memref<!tpu.dma_semaphore, #tpu.memory_space<semaphore_mem>>)
      %dma_wait3A_59 = arith.constant 0 : i32
      %dma_wait3A_60 = tpu.memref_slice %arg14[%mul3A_2, %dma_wait3A_59] : memref<10240x16xf32, #tpu.memory_space<vmem_shared>> -> memref<640x16xf32, #tpu.memory_space<vmem_shared>>
      %dma_wait3A_61 = arith.constant 0 : i32
      %dma_wait3A_62 = tpu.memref_slice %arg5[%mul3A_2, %dma_wait3A_61] : memref<10240x16xf32, #tpu.memory_space<hbm>> -> memref<640x16xf32, #tpu.memory_space<hbm>>
      tpu.wait_dma2 semaphore(%run_scoped3A : memref<!tpu.dma_semaphore, #tpu.memory_space<semaphore_mem>>) src(%dma_wait3A_62 : memref<640x16xf32, #tpu.memory_space<hbm>>) dst(%dma_wait3A_60 : memref<640x16xf32, #tpu.memory_space<vmem_shared>>)
      tpu.yield
    }) : () -> ()
    %barrier3A = arith.constant 0 : index
    tpu.barrier barrier_id(%barrier3A)
    %dma_start3A = arith.constant 0 : i32
    %dma_start3A_3 = arith.constant 0 : i32
    %dma_start3A_4 = tpu.memref_slice %arg8[%dma_start3A, %dma_start3A_3] : memref<50x200xi32, #tpu.memory_space<vmem>> -> memref<1x200xi32, #tpu.memory_space<vmem>>
    %dma_start3A_5 = tpu.memref_squeeze %dma_start3A_4 : memref<1x200xi32, #tpu.memory_space<vmem>> -> memref<200xi32, #tpu.memory_space<vmem>>
    %dma_start3A_6 = arith.constant 0 : i32
    %dma_start3A_7 = arith.constant 0 : i32
    %dma_start3A_8 = tpu.memref_slice %arg2[%dma_start3A_6, %dma_start3A_7] : memref<10000x16xf32, #tpu.memory_space<hbm>> -> memref<10000x16xf32, #tpu.memory_space<hbm>>
    tpu.enqueue_indirect_dma source(%dma_start3A_8 : memref<10000x16xf32, #tpu.memory_space<hbm>>) target(%arg9 : memref<200x16xf32, #tpu.memory_space<vmem>>) offsets(%dma_start3A_5 : memref<200xi32, #tpu.memory_space<vmem>>) semaphore(%arg15 : memref<!tpu.dma_semaphore, #tpu.memory_space<semaphore_mem>>)
    %dma_start3A_9 = arith.constant 1 : i32
    %dma_start3A_10 = arith.constant 0 : i32
    %dma_start3A_11 = tpu.memref_slice %arg8[%dma_start3A_9, %dma_start3A_10] : memref<50x200xi32, #tpu.memory_space<vmem>> -> memref<1x200xi32, #tpu.memory_space<vmem>>
    %dma_start3A_12 = tpu.memref_squeeze %dma_start3A_11 : memref<1x200xi32, #tpu.memory_space<vmem>> -> memref<200xi32, #tpu.memory_space<vmem>>
    %dma_start3A_13 = arith.constant 0 : i32
    %dma_start3A_14 = arith.constant 0 : i32
    %dma_start3A_15 = tpu.memref_slice %arg2[%dma_start3A_13, %dma_start3A_14] : memref<10000x16xf32, #tpu.memory_space<hbm>> -> memref<10000x16xf32, #tpu.memory_space<hbm>>
    tpu.enqueue_indirect_dma source(%dma_start3A_15 : memref<10000x16xf32, #tpu.memory_space<hbm>>) target(%arg10 : memref<200x16xf32, #tpu.memory_space<vmem>>) offsets(%dma_start3A_12 : memref<200xi32, #tpu.memory_space<vmem>>) semaphore(%arg16 : memref<!tpu.dma_semaphore, #tpu.memory_space<semaphore_mem>>)
    %scan3A = arith.constant 0 : i32
    %scan3A_16 = arith.constant 10 : i32
    %scan3A_17 = arith.addi %scan3A, %scan3A_16 : i32
    %scan3A_18 = arith.constant 1 : i32
    scf.for %scan3A_55 = %scan3A to %scan3A_17 step %scan3A_18  : i32 {
      %mul3A_56 = arith.constant 1 : i32
      %mul3A_57 = arith.muli %scan3A_55, %mul3A_56 : i32
      %add3A_58 = arith.constant 0 : i32
      %add3A_59 = arith.addi %add3A_58, %mul3A_57 : i32
      %mul3A_60 = arith.constant 5 : i32
      %mul3A_61 = arith.muli %add3A_59, %mul3A_60 : i32
      %add3A_62 = arith.constant 0 : i32
      %add3A_63 = arith.addi %mul3A_61, %add3A_62 : i32
      %dma_wait3A_64 = arith.constant 0 : i32
      %dma_wait3A_65 = tpu.memref_slice %arg8[%add3A_63, %dma_wait3A_64] : memref<50x200xi32, #tpu.memory_space<vmem>> -> memref<1x200xi32, #tpu.memory_space<vmem>>
      %dma_wait3A_66 = tpu.memref_squeeze %dma_wait3A_65 : memref<1x200xi32, #tpu.memory_space<vmem>> -> memref<200xi32, #tpu.memory_space<vmem>>
      %dma_wait3A_67 = arith.constant 0 : i32
      %dma_wait3A_68 = arith.constant 0 : i32
      %dma_wait3A_69 = tpu.memref_slice %arg2[%dma_wait3A_67, %dma_wait3A_68] : memref<10000x16xf32, #tpu.memory_space<hbm>> -> memref<10000x16xf32, #tpu.memory_space<hbm>>
      tpu.wait_indirect_dma semaphore(%arg15 : memref<!tpu.dma_semaphore, #tpu.memory_space<semaphore_mem>>) src(%dma_wait3A_69 : memref<10000x16xf32, #tpu.memory_space<hbm>>) dst(%arg9 : memref<200x16xf32, #tpu.memory_space<vmem>>)
      %dma_start3A_70 = arith.constant 0 : i32
      %dma_start3A_71 = tpu.memref_slice %arg7[%add3A_63, %dma_start3A_70] : memref<50x200xi32, #tpu.memory_space<vmem>> -> memref<1x200xi32, #tpu.memory_space<vmem>>
      %dma_start3A_72 = tpu.memref_squeeze %dma_start3A_71 : memref<1x200xi32, #tpu.memory_space<vmem>> -> memref<200xi32, #tpu.memory_space<vmem>>
      %dma_start3A_73 = arith.constant 0 : i32
      %dma_start3A_74 = arith.constant 0 : i32
      %dma_start3A_75 = tpu.memref_slice %arg14[%dma_start3A_73, %dma_start3A_74] : memref<10240x16xf32, #tpu.memory_space<vmem_shared>> -> memref<10240x16xf32, #tpu.memory_space<vmem_shared>>
      tpu.enqueue_indirect_dma source(%arg9 : memref<200x16xf32, #tpu.memory_space<vmem>>) target(%dma_start3A_75 : memref<10240x16xf32, #tpu.memory_space<vmem_shared>>) offsets(%dma_start3A_72 : memref<200xi32, #tpu.memory_space<vmem>>) semaphore(%arg20 : memref<!tpu.dma_semaphore, #tpu.memory_space<semaphore_mem>>) {add = true}
      %gt3A = arith.constant 0 : i32
      %gt3A_76 = arith.cmpi sgt, %add3A_59, %gt3A : i32
      %convert_element_type3A = arith.extui %gt3A_76 : i1 to i32
      %cond3A = arith.constant 0 : i32
      %cond3A_77 = arith.cmpi ne, %convert_element_type3A, %cond3A : i32
      scf.if %cond3A_77 {
        %add3A_181 = arith.constant 2 : i32
        %add3A_182 = arith.addi %add3A_63, %add3A_181 : i32
        %sub3A = arith.constant 5 : i32
        %sub3A_183 = arith.subi %add3A_182, %sub3A : i32
        %dma_wait3A_184 = arith.constant 0 : i32
        %dma_wait3A_185 = tpu.memref_slice %arg7[%sub3A_183, %dma_wait3A_184] : memref<50x200xi32, #tpu.memory_space<vmem>> -> memref<1x200xi32, #tpu.memory_space<vmem>>
        %dma_wait3A_186 = tpu.memref_squeeze %dma_wait3A_185 : memref<1x200xi32, #tpu.memory_space<vmem>> -> memref<200xi32, #tpu.memory_space<vmem>>
        %dma_wait3A_187 = arith.constant 0 : i32
        %dma_wait3A_188 = arith.constant 0 : i32
        %dma_wait3A_189 = tpu.memref_slice %arg14[%dma_wait3A_187, %dma_wait3A_188] : memref<10240x16xf32, #tpu.memory_space<vmem_shared>> -> memref<10240x16xf32, #tpu.memory_space<vmem_shared>>
        tpu.wait_indirect_dma semaphore(%arg22 : memref<!tpu.dma_semaphore, #tpu.memory_space<semaphore_mem>>) src(%arg11 : memref<200x16xf32, #tpu.memory_space<vmem>>) dst(%dma_wait3A_189 : memref<10240x16xf32, #tpu.memory_space<vmem_shared>>)
      } else {
      }
      %add3A_78 = arith.constant 2 : i32
      %add3A_79 = arith.addi %add3A_63, %add3A_78 : i32
      %dma_start3A_80 = arith.constant 0 : i32
      %dma_start3A_81 = tpu.memref_slice %arg8[%add3A_79, %dma_start3A_80] : memref<50x200xi32, #tpu.memory_space<vmem>> -> memref<1x200xi32, #tpu.memory_space<vmem>>
      %dma_start3A_82 = tpu.memref_squeeze %dma_start3A_81 : memref<1x200xi32, #tpu.memory_space<vmem>> -> memref<200xi32, #tpu.memory_space<vmem>>
      %dma_start3A_83 = arith.constant 0 : i32
      %dma_start3A_84 = arith.constant 0 : i32
      %dma_start3A_85 = tpu.memref_slice %arg2[%dma_start3A_83, %dma_start3A_84] : memref<10000x16xf32, #tpu.memory_space<hbm>> -> memref<10000x16xf32, #tpu.memory_space<hbm>>
      tpu.enqueue_indirect_dma source(%dma_start3A_85 : memref<10000x16xf32, #tpu.memory_space<hbm>>) target(%arg11 : memref<200x16xf32, #tpu.memory_space<vmem>>) offsets(%dma_start3A_82 : memref<200xi32, #tpu.memory_space<vmem>>) semaphore(%arg17 : memref<!tpu.dma_semaphore, #tpu.memory_space<semaphore_mem>>)
      %add3A_86 = arith.constant 1 : i32
      %add3A_87 = arith.addi %mul3A_61, %add3A_86 : i32
      %dma_wait3A_88 = arith.constant 0 : i32
      %dma_wait3A_89 = tpu.memref_slice %arg8[%add3A_87, %dma_wait3A_88] : memref<50x200xi32, #tpu.memory_space<vmem>> -> memref<1x200xi32, #tpu.memory_space<vmem>>
      %dma_wait3A_90 = tpu.memref_squeeze %dma_wait3A_89 : memref<1x200xi32, #tpu.memory_space<vmem>> -> memref<200xi32, #tpu.memory_space<vmem>>
      %dma_wait3A_91 = arith.constant 0 : i32
      %dma_wait3A_92 = arith.constant 0 : i32
      %dma_wait3A_93 = tpu.memref_slice %arg2[%dma_wait3A_91, %dma_wait3A_92] : memref<10000x16xf32, #tpu.memory_space<hbm>> -> memref<10000x16xf32, #tpu.memory_space<hbm>>
      tpu.wait_indirect_dma semaphore(%arg16 : memref<!tpu.dma_semaphore, #tpu.memory_space<semaphore_mem>>) src(%dma_wait3A_93 : memref<10000x16xf32, #tpu.memory_space<hbm>>) dst(%arg10 : memref<200x16xf32, #tpu.memory_space<vmem>>)
      %dma_start3A_94 = arith.constant 0 : i32
      %dma_start3A_95 = tpu.memref_slice %arg7[%add3A_87, %dma_start3A_94] : memref<50x200xi32, #tpu.memory_space<vmem>> -> memref<1x200xi32, #tpu.memory_space<vmem>>
      %dma_start3A_96 = tpu.memref_squeeze %dma_start3A_95 : memref<1x200xi32, #tpu.memory_space<vmem>> -> memref<200xi32, #tpu.memory_space<vmem>>
      %dma_start3A_97 = arith.constant 0 : i32
      %dma_start3A_98 = arith.constant 0 : i32
      %dma_start3A_99 = tpu.memref_slice %arg14[%dma_start3A_97, %dma_start3A_98] : memref<10240x16xf32, #tpu.memory_space<vmem_shared>> -> memref<10240x16xf32, #tpu.memory_space<vmem_shared>>
      tpu.enqueue_indirect_dma source(%arg10 : memref<200x16xf32, #tpu.memory_space<vmem>>) target(%dma_start3A_99 : memref<10240x16xf32, #tpu.memory_space<vmem_shared>>) offsets(%dma_start3A_96 : memref<200xi32, #tpu.memory_space<vmem>>) semaphore(%arg21 : memref<!tpu.dma_semaphore, #tpu.memory_space<semaphore_mem>>) {add = true}
      %gt3A_100 = arith.constant 0 : i32
      %gt3A_101 = arith.cmpi sgt, %add3A_59, %gt3A_100 : i32
      %convert_element_type3A_102 = arith.extui %gt3A_101 : i1 to i32
      %cond3A_103 = arith.constant 0 : i32
      %cond3A_104 = arith.cmpi ne, %convert_element_type3A_102, %cond3A_103 : i32
      scf.if %cond3A_104 {
        %add3A_181 = arith.constant 2 : i32
        %add3A_182 = arith.addi %add3A_87, %add3A_181 : i32
        %sub3A = arith.constant 5 : i32
        %sub3A_183 = arith.subi %add3A_182, %sub3A : i32
        %dma_wait3A_184 = arith.constant 0 : i32
        %dma_wait3A_185 = tpu.memref_slice %arg7[%sub3A_183, %dma_wait3A_184] : memref<50x200xi32, #tpu.memory_space<vmem>> -> memref<1x200xi32, #tpu.memory_space<vmem>>
        %dma_wait3A_186 = tpu.memref_squeeze %dma_wait3A_185 : memref<1x200xi32, #tpu.memory_space<vmem>> -> memref<200xi32, #tpu.memory_space<vmem>>
        %dma_wait3A_187 = arith.constant 0 : i32
        %dma_wait3A_188 = arith.constant 0 : i32
        %dma_wait3A_189 = tpu.memref_slice %arg14[%dma_wait3A_187, %dma_wait3A_188] : memref<10240x16xf32, #tpu.memory_space<vmem_shared>> -> memref<10240x16xf32, #tpu.memory_space<vmem_shared>>
        tpu.wait_indirect_dma semaphore(%arg23 : memref<!tpu.dma_semaphore, #tpu.memory_space<semaphore_mem>>) src(%arg12 : memref<200x16xf32, #tpu.memory_space<vmem>>) dst(%dma_wait3A_189 : memref<10240x16xf32, #tpu.memory_space<vmem_shared>>)
      } else {
      }
      %add3A_105 = arith.constant 2 : i32
      %add3A_106 = arith.addi %add3A_87, %add3A_105 : i32
      %dma_start3A_107 = arith.constant 0 : i32
      %dma_start3A_108 = tpu.memref_slice %arg8[%add3A_106, %dma_start3A_107] : memref<50x200xi32, #tpu.memory_space<vmem>> -> memref<1x200xi32, #tpu.memory_space<vmem>>
      %dma_start3A_109 = tpu.memref_squeeze %dma_start3A_108 : memref<1x200xi32, #tpu.memory_space<vmem>> -> memref<200xi32, #tpu.memory_space<vmem>>
      %dma_start3A_110 = arith.constant 0 : i32
      %dma_start3A_111 = arith.constant 0 : i32
      %dma_start3A_112 = tpu.memref_slice %arg2[%dma_start3A_110, %dma_start3A_111] : memref<10000x16xf32, #tpu.memory_space<hbm>> -> memref<10000x16xf32, #tpu.memory_space<hbm>>
      tpu.enqueue_indirect_dma source(%dma_start3A_112 : memref<10000x16xf32, #tpu.memory_space<hbm>>) target(%arg12 : memref<200x16xf32, #tpu.memory_space<vmem>>) offsets(%dma_start3A_109 : memref<200xi32, #tpu.memory_space<vmem>>) semaphore(%arg18 : memref<!tpu.dma_semaphore, #tpu.memory_space<semaphore_mem>>)
      %add3A_113 = arith.constant 2 : i32
      %add3A_114 = arith.addi %mul3A_61, %add3A_113 : i32
      %dma_wait3A_115 = arith.constant 0 : i32
      %dma_wait3A_116 = tpu.memref_slice %arg8[%add3A_114, %dma_wait3A_115] : memref<50x200xi32, #tpu.memory_space<vmem>> -> memref<1x200xi32, #tpu.memory_space<vmem>>
      %dma_wait3A_117 = tpu.memref_squeeze %dma_wait3A_116 : memref<1x200xi32, #tpu.memory_space<vmem>> -> memref<200xi32, #tpu.memory_space<vmem>>
      %dma_wait3A_118 = arith.constant 0 : i32
      %dma_wait3A_119 = arith.constant 0 : i32
      %dma_wait3A_120 = tpu.memref_slice %arg2[%dma_wait3A_118, %dma_wait3A_119] : memref<10000x16xf32, #tpu.memory_space<hbm>> -> memref<10000x16xf32, #tpu.memory_space<hbm>>
      tpu.wait_indirect_dma semaphore(%arg17 : memref<!tpu.dma_semaphore, #tpu.memory_space<semaphore_mem>>) src(%dma_wait3A_120 : memref<10000x16xf32, #tpu.memory_space<hbm>>) dst(%arg11 : memref<200x16xf32, #tpu.memory_space<vmem>>)
      %dma_start3A_121 = arith.constant 0 : i32
      %dma_start3A_122 = tpu.memref_slice %arg7[%add3A_114, %dma_start3A_121] : memref<50x200xi32, #tpu.memory_space<vmem>> -> memref<1x200xi32, #tpu.memory_space<vmem>>
      %dma_start3A_123 = tpu.memref_squeeze %dma_start3A_122 : memref<1x200xi32, #tpu.memory_space<vmem>> -> memref<200xi32, #tpu.memory_space<vmem>>
      %dma_start3A_124 = arith.constant 0 : i32
      %dma_start3A_125 = arith.constant 0 : i32
      %dma_start3A_126 = tpu.memref_slice %arg14[%dma_start3A_124, %dma_start3A_125] : memref<10240x16xf32, #tpu.memory_space<vmem_shared>> -> memref<10240x16xf32, #tpu.memory_space<vmem_shared>>
      tpu.enqueue_indirect_dma source(%arg11 : memref<200x16xf32, #tpu.memory_space<vmem>>) target(%dma_start3A_126 : memref<10240x16xf32, #tpu.memory_space<vmem_shared>>) offsets(%dma_start3A_123 : memref<200xi32, #tpu.memory_space<vmem>>) semaphore(%arg22 : memref<!tpu.dma_semaphore, #tpu.memory_space<semaphore_mem>>) {add = true}
      %gt3A_127 = arith.constant 0 : i32
      %gt3A_128 = arith.cmpi sgt, %add3A_59, %gt3A_127 : i32
      %convert_element_type3A_129 = arith.extui %gt3A_128 : i1 to i32
      %cond3A_130 = arith.constant 0 : i32
      %cond3A_131 = arith.cmpi ne, %convert_element_type3A_129, %cond3A_130 : i32
      scf.if %cond3A_131 {
        %add3A_181 = arith.constant 2 : i32
        %add3A_182 = arith.addi %add3A_114, %add3A_181 : i32
        %sub3A = arith.constant 5 : i32
        %sub3A_183 = arith.subi %add3A_182, %sub3A : i32
        %dma_wait3A_184 = arith.constant 0 : i32
        %dma_wait3A_185 = tpu.memref_slice %arg7[%sub3A_183, %dma_wait3A_184] : memref<50x200xi32, #tpu.memory_space<vmem>> -> memref<1x200xi32, #tpu.memory_space<vmem>>
        %dma_wait3A_186 = tpu.memref_squeeze %dma_wait3A_185 : memref<1x200xi32, #tpu.memory_space<vmem>> -> memref<200xi32, #tpu.memory_space<vmem>>
        %dma_wait3A_187 = arith.constant 0 : i32
        %dma_wait3A_188 = arith.constant 0 : i32
        %dma_wait3A_189 = tpu.memref_slice %arg14[%dma_wait3A_187, %dma_wait3A_188] : memref<10240x16xf32, #tpu.memory_space<vmem_shared>> -> memref<10240x16xf32, #tpu.memory_space<vmem_shared>>
        tpu.wait_indirect_dma semaphore(%arg24 : memref<!tpu.dma_semaphore, #tpu.memory_space<semaphore_mem>>) src(%arg13 : memref<200x16xf32, #tpu.memory_space<vmem>>) dst(%dma_wait3A_189 : memref<10240x16xf32, #tpu.memory_space<vmem_shared>>)
      } else {
      }
      %add3A_132 = arith.constant 2 : i32
      %add3A_133 = arith.addi %add3A_114, %add3A_132 : i32
      %dma_start3A_134 = arith.constant 0 : i32
      %dma_start3A_135 = tpu.memref_slice %arg8[%add3A_133, %dma_start3A_134] : memref<50x200xi32, #tpu.memory_space<vmem>> -> memref<1x200xi32, #tpu.memory_space<vmem>>
      %dma_start3A_136 = tpu.memref_squeeze %dma_start3A_135 : memref<1x200xi32, #tpu.memory_space<vmem>> -> memref<200xi32, #tpu.memory_space<vmem>>
      %dma_start3A_137 = arith.constant 0 : i32
      %dma_start3A_138 = arith.constant 0 : i32
      %dma_start3A_139 = tpu.memref_slice %arg2[%dma_start3A_137, %dma_start3A_138] : memref<10000x16xf32, #tpu.memory_space<hbm>> -> memref<10000x16xf32, #tpu.memory_space<hbm>>
      tpu.enqueue_indirect_dma source(%dma_start3A_139 : memref<10000x16xf32, #tpu.memory_space<hbm>>) target(%arg13 : memref<200x16xf32, #tpu.memory_space<vmem>>) offsets(%dma_start3A_136 : memref<200xi32, #tpu.memory_space<vmem>>) semaphore(%arg19 : memref<!tpu.dma_semaphore, #tpu.memory_space<semaphore_mem>>)
      %add3A_140 = arith.constant 3 : i32
      %add3A_141 = arith.addi %mul3A_61, %add3A_140 : i32
      %dma_wait3A_142 = arith.constant 0 : i32
      %dma_wait3A_143 = tpu.memref_slice %arg8[%add3A_141, %dma_wait3A_142] : memref<50x200xi32, #tpu.memory_space<vmem>> -> memref<1x200xi32, #tpu.memory_space<vmem>>
      %dma_wait3A_144 = tpu.memref_squeeze %dma_wait3A_143 : memref<1x200xi32, #tpu.memory_space<vmem>> -> memref<200xi32, #tpu.memory_space<vmem>>
      %dma_wait3A_145 = arith.constant 0 : i32
      %dma_wait3A_146 = arith.constant 0 : i32
      %dma_wait3A_147 = tpu.memref_slice %arg2[%dma_wait3A_145, %dma_wait3A_146] : memref<10000x16xf32, #tpu.memory_space<hbm>> -> memref<10000x16xf32, #tpu.memory_space<hbm>>
      tpu.wait_indirect_dma semaphore(%arg18 : memref<!tpu.dma_semaphore, #tpu.memory_space<semaphore_mem>>) src(%dma_wait3A_147 : memref<10000x16xf32, #tpu.memory_space<hbm>>) dst(%arg12 : memref<200x16xf32, #tpu.memory_space<vmem>>)
      %dma_start3A_148 = arith.constant 0 : i32
      %dma_start3A_149 = tpu.memref_slice %arg7[%add3A_141, %dma_start3A_148] : memref<50x200xi32, #tpu.memory_space<vmem>> -> memref<1x200xi32, #tpu.memory_space<vmem>>
      %dma_start3A_150 = tpu.memref_squeeze %dma_start3A_149 : memref<1x200xi32, #tpu.memory_space<vmem>> -> memref<200xi32, #tpu.memory_space<vmem>>
      %dma_start3A_151 = arith.constant 0 : i32
      %dma_start3A_152 = arith.constant 0 : i32
      %dma_start3A_153 = tpu.memref_slice %arg14[%dma_start3A_151, %dma_start3A_152] : memref<10240x16xf32, #tpu.memory_space<vmem_shared>> -> memref<10240x16xf32, #tpu.memory_space<vmem_shared>>
      tpu.enqueue_indirect_dma source(%arg12 : memref<200x16xf32, #tpu.memory_space<vmem>>) target(%dma_start3A_153 : memref<10240x16xf32, #tpu.memory_space<vmem_shared>>) offsets(%dma_start3A_150 : memref<200xi32, #tpu.memory_space<vmem>>) semaphore(%arg23 : memref<!tpu.dma_semaphore, #tpu.memory_space<semaphore_mem>>) {add = true}
      %add3A_154 = arith.constant 2 : i32
      %add3A_155 = arith.addi %add3A_141, %add3A_154 : i32
      %lt3A = arith.constant 50 : i32
      %lt3A_156 = arith.cmpi slt, %add3A_155, %lt3A : i32
      %convert_element_type3A_157 = arith.extui %lt3A_156 : i1 to i32
      %cond3A_158 = arith.constant 0 : i32
      %cond3A_159 = arith.cmpi ne, %convert_element_type3A_157, %cond3A_158 : i32
      scf.if %cond3A_159 {
        %add3A_181 = arith.constant 2 : i32
        %add3A_182 = arith.addi %add3A_141, %add3A_181 : i32
        %sub3A = arith.constant 5 : i32
        %sub3A_183 = arith.subi %add3A_182, %sub3A : i32
        %dma_wait3A_184 = arith.constant 0 : i32
        %dma_wait3A_185 = tpu.memref_slice %arg7[%sub3A_183, %dma_wait3A_184] : memref<50x200xi32, #tpu.memory_space<vmem>> -> memref<1x200xi32, #tpu.memory_space<vmem>>
        %dma_wait3A_186 = tpu.memref_squeeze %dma_wait3A_185 : memref<1x200xi32, #tpu.memory_space<vmem>> -> memref<200xi32, #tpu.memory_space<vmem>>
        %dma_wait3A_187 = arith.constant 0 : i32
        %dma_wait3A_188 = arith.constant 0 : i32
        %dma_wait3A_189 = tpu.memref_slice %arg14[%dma_wait3A_187, %dma_wait3A_188] : memref<10240x16xf32, #tpu.memory_space<vmem_shared>> -> memref<10240x16xf32, #tpu.memory_space<vmem_shared>>
        tpu.wait_indirect_dma semaphore(%arg20 : memref<!tpu.dma_semaphore, #tpu.memory_space<semaphore_mem>>) src(%arg9 : memref<200x16xf32, #tpu.memory_space<vmem>>) dst(%dma_wait3A_189 : memref<10240x16xf32, #tpu.memory_space<vmem_shared>>)
        %add3A_190 = arith.constant 2 : i32
        %add3A_191 = arith.addi %add3A_141, %add3A_190 : i32
        %dma_start3A_192 = arith.constant 0 : i32
        %dma_start3A_193 = tpu.memref_slice %arg8[%add3A_191, %dma_start3A_192] : memref<50x200xi32, #tpu.memory_space<vmem>> -> memref<1x200xi32, #tpu.memory_space<vmem>>
        %dma_start3A_194 = tpu.memref_squeeze %dma_start3A_193 : memref<1x200xi32, #tpu.memory_space<vmem>> -> memref<200xi32, #tpu.memory_space<vmem>>
        %dma_start3A_195 = arith.constant 0 : i32
        %dma_start3A_196 = arith.constant 0 : i32
        %dma_start3A_197 = tpu.memref_slice %arg2[%dma_start3A_195, %dma_start3A_196] : memref<10000x16xf32, #tpu.memory_space<hbm>> -> memref<10000x16xf32, #tpu.memory_space<hbm>>
        tpu.enqueue_indirect_dma source(%dma_start3A_197 : memref<10000x16xf32, #tpu.memory_space<hbm>>) target(%arg9 : memref<200x16xf32, #tpu.memory_space<vmem>>) offsets(%dma_start3A_194 : memref<200xi32, #tpu.memory_space<vmem>>) semaphore(%arg15 : memref<!tpu.dma_semaphore, #tpu.memory_space<semaphore_mem>>)
      } else {
      }
      %add3A_160 = arith.constant 4 : i32
      %add3A_161 = arith.addi %mul3A_61, %add3A_160 : i32
      %dma_wait3A_162 = arith.constant 0 : i32
      %dma_wait3A_163 = tpu.memref_slice %arg8[%add3A_161, %dma_wait3A_162] : memref<50x200xi32, #tpu.memory_space<vmem>> -> memref<1x200xi32, #tpu.memory_space<vmem>>
      %dma_wait3A_164 = tpu.memref_squeeze %dma_wait3A_163 : memref<1x200xi32, #tpu.memory_space<vmem>> -> memref<200xi32, #tpu.memory_space<vmem>>
      %dma_wait3A_165 = arith.constant 0 : i32
      %dma_wait3A_166 = arith.constant 0 : i32
      %dma_wait3A_167 = tpu.memref_slice %arg2[%dma_wait3A_165, %dma_wait3A_166] : memref<10000x16xf32, #tpu.memory_space<hbm>> -> memref<10000x16xf32, #tpu.memory_space<hbm>>
      tpu.wait_indirect_dma semaphore(%arg19 : memref<!tpu.dma_semaphore, #tpu.memory_space<semaphore_mem>>) src(%dma_wait3A_167 : memref<10000x16xf32, #tpu.memory_space<hbm>>) dst(%arg13 : memref<200x16xf32, #tpu.memory_space<vmem>>)
      %dma_start3A_168 = arith.constant 0 : i32
      %dma_start3A_169 = tpu.memref_slice %arg7[%add3A_161, %dma_start3A_168] : memref<50x200xi32, #tpu.memory_space<vmem>> -> memref<1x200xi32, #tpu.memory_space<vmem>>
      %dma_start3A_170 = tpu.memref_squeeze %dma_start3A_169 : memref<1x200xi32, #tpu.memory_space<vmem>> -> memref<200xi32, #tpu.memory_space<vmem>>
      %dma_start3A_171 = arith.constant 0 : i32
      %dma_start3A_172 = arith.constant 0 : i32
      %dma_start3A_173 = tpu.memref_slice %arg14[%dma_start3A_171, %dma_start3A_172] : memref<10240x16xf32, #tpu.memory_space<vmem_shared>> -> memref<10240x16xf32, #tpu.memory_space<vmem_shared>>
      tpu.enqueue_indirect_dma source(%arg13 : memref<200x16xf32, #tpu.memory_space<vmem>>) target(%dma_start3A_173 : memref<10240x16xf32, #tpu.memory_space<vmem_shared>>) offsets(%dma_start3A_170 : memref<200xi32, #tpu.memory_space<vmem>>) semaphore(%arg24 : memref<!tpu.dma_semaphore, #tpu.memory_space<semaphore_mem>>) {add = true}
      %add3A_174 = arith.constant 2 : i32
      %add3A_175 = arith.addi %add3A_161, %add3A_174 : i32
      %lt3A_176 = arith.constant 50 : i32
      %lt3A_177 = arith.cmpi slt, %add3A_175, %lt3A_176 : i32
      %convert_element_type3A_178 = arith.extui %lt3A_177 : i1 to i32
      %cond3A_179 = arith.constant 0 : i32
      %cond3A_180 = arith.cmpi ne, %convert_element_type3A_178, %cond3A_179 : i32
      scf.if %cond3A_180 {
        %add3A_181 = arith.constant 2 : i32
        %add3A_182 = arith.addi %add3A_161, %add3A_181 : i32
        %sub3A = arith.constant 5 : i32
        %sub3A_183 = arith.subi %add3A_182, %sub3A : i32
        %dma_wait3A_184 = arith.constant 0 : i32
        %dma_wait3A_185 = tpu.memref_slice %arg7[%sub3A_183, %dma_wait3A_184] : memref<50x200xi32, #tpu.memory_space<vmem>> -> memref<1x200xi32, #tpu.memory_space<vmem>>
        %dma_wait3A_186 = tpu.memref_squeeze %dma_wait3A_185 : memref<1x200xi32, #tpu.memory_space<vmem>> -> memref<200xi32, #tpu.memory_space<vmem>>
        %dma_wait3A_187 = arith.constant 0 : i32
        %dma_wait3A_188 = arith.constant 0 : i32
        %dma_wait3A_189 = tpu.memref_slice %arg14[%dma_wait3A_187, %dma_wait3A_188] : memref<10240x16xf32, #tpu.memory_space<vmem_shared>> -> memref<10240x16xf32, #tpu.memory_space<vmem_shared>>
        tpu.wait_indirect_dma semaphore(%arg21 : memref<!tpu.dma_semaphore, #tpu.memory_space<semaphore_mem>>) src(%arg10 : memref<200x16xf32, #tpu.memory_space<vmem>>) dst(%dma_wait3A_189 : memref<10240x16xf32, #tpu.memory_space<vmem_shared>>)
        %add3A_190 = arith.constant 2 : i32
        %add3A_191 = arith.addi %add3A_161, %add3A_190 : i32
        %dma_start3A_192 = arith.constant 0 : i32
        %dma_start3A_193 = tpu.memref_slice %arg8[%add3A_191, %dma_start3A_192] : memref<50x200xi32, #tpu.memory_space<vmem>> -> memref<1x200xi32, #tpu.memory_space<vmem>>
        %dma_start3A_194 = tpu.memref_squeeze %dma_start3A_193 : memref<1x200xi32, #tpu.memory_space<vmem>> -> memref<200xi32, #tpu.memory_space<vmem>>
        %dma_start3A_195 = arith.constant 0 : i32
        %dma_start3A_196 = arith.constant 0 : i32
        %dma_start3A_197 = tpu.memref_slice %arg2[%dma_start3A_195, %dma_start3A_196] : memref<10000x16xf32, #tpu.memory_space<hbm>> -> memref<10000x16xf32, #tpu.memory_space<hbm>>
        tpu.enqueue_indirect_dma source(%dma_start3A_197 : memref<10000x16xf32, #tpu.memory_space<hbm>>) target(%arg10 : memref<200x16xf32, #tpu.memory_space<vmem>>) offsets(%dma_start3A_194 : memref<200xi32, #tpu.memory_space<vmem>>) semaphore(%arg16 : memref<!tpu.dma_semaphore, #tpu.memory_space<semaphore_mem>>)
      } else {
      }
    }
    %scan3A_19 = arith.constant 10 : i32
    %dma_wait3A = arith.constant 45 : i32
    %dma_wait3A_20 = arith.constant 0 : i32
    %dma_wait3A_21 = tpu.memref_slice %arg7[%dma_wait3A, %dma_wait3A_20] : memref<50x200xi32, #tpu.memory_space<vmem>> -> memref<1x200xi32, #tpu.memory_space<vmem>>
    %dma_wait3A_22 = tpu.memref_squeeze %dma_wait3A_21 : memref<1x200xi32, #tpu.memory_space<vmem>> -> memref<200xi32, #tpu.memory_space<vmem>>
    %dma_wait3A_23 = arith.constant 0 : i32
    %dma_wait3A_24 = arith.constant 0 : i32
    %dma_wait3A_25 = tpu.memref_slice %arg14[%dma_wait3A_23, %dma_wait3A_24] : memref<10240x16xf32, #tpu.memory_space<vmem_shared>> -> memref<10240x16xf32, #tpu.memory_space<vmem_shared>>
    tpu.wait_indirect_dma semaphore(%arg20 : memref<!tpu.dma_semaphore, #tpu.memory_space<semaphore_mem>>) src(%arg9 : memref<200x16xf32, #tpu.memory_space<vmem>>) dst(%dma_wait3A_25 : memref<10240x16xf32, #tpu.memory_space<vmem_shared>>)
    %dma_wait3A_26 = arith.constant 46 : i32
    %dma_wait3A_27 = arith.constant 0 : i32
    %dma_wait3A_28 = tpu.memref_slice %arg7[%dma_wait3A_26, %dma_wait3A_27] : memref<50x200xi32, #tpu.memory_space<vmem>> -> memref<1x200xi32, #tpu.memory_space<vmem>>
    %dma_wait3A_29 = tpu.memref_squeeze %dma_wait3A_28 : memref<1x200xi32, #tpu.memory_space<vmem>> -> memref<200xi32, #tpu.memory_space<vmem>>
    %dma_wait3A_30 = arith.constant 0 : i32
    %dma_wait3A_31 = arith.constant 0 : i32
    %dma_wait3A_32 = tpu.memref_slice %arg14[%dma_wait3A_30, %dma_wait3A_31] : memref<10240x16xf32, #tpu.memory_space<vmem_shared>> -> memref<10240x16xf32, #tpu.memory_space<vmem_shared>>
    tpu.wait_indirect_dma semaphore(%arg21 : memref<!tpu.dma_semaphore, #tpu.memory_space<semaphore_mem>>) src(%arg10 : memref<200x16xf32, #tpu.memory_space<vmem>>) dst(%dma_wait3A_32 : memref<10240x16xf32, #tpu.memory_space<vmem_shared>>)
    %dma_wait3A_33 = arith.constant 47 : i32
    %dma_wait3A_34 = arith.constant 0 : i32
    %dma_wait3A_35 = tpu.memref_slice %arg7[%dma_wait3A_33, %dma_wait3A_34] : memref<50x200xi32, #tpu.memory_space<vmem>> -> memref<1x200xi32, #tpu.memory_space<vmem>>
    %dma_wait3A_36 = tpu.memref_squeeze %dma_wait3A_35 : memref<1x200xi32, #tpu.memory_space<vmem>> -> memref<200xi32, #tpu.memory_space<vmem>>
    %dma_wait3A_37 = arith.constant 0 : i32
    %dma_wait3A_38 = arith.constant 0 : i32
    %dma_wait3A_39 = tpu.memref_slice %arg14[%dma_wait3A_37, %dma_wait3A_38] : memref<10240x16xf32, #tpu.memory_space<vmem_shared>> -> memref<10240x16xf32, #tpu.memory_space<vmem_shared>>
    tpu.wait_indirect_dma semaphore(%arg22 : memref<!tpu.dma_semaphore, #tpu.memory_space<semaphore_mem>>) src(%arg11 : memref<200x16xf32, #tpu.memory_space<vmem>>) dst(%dma_wait3A_39 : memref<10240x16xf32, #tpu.memory_space<vmem_shared>>)
    %dma_wait3A_40 = arith.constant 48 : i32
    %dma_wait3A_41 = arith.constant 0 : i32
    %dma_wait3A_42 = tpu.memref_slice %arg7[%dma_wait3A_40, %dma_wait3A_41] : memref<50x200xi32, #tpu.memory_space<vmem>> -> memref<1x200xi32, #tpu.memory_space<vmem>>
    %dma_wait3A_43 = tpu.memref_squeeze %dma_wait3A_42 : memref<1x200xi32, #tpu.memory_space<vmem>> -> memref<200xi32, #tpu.memory_space<vmem>>
    %dma_wait3A_44 = arith.constant 0 : i32
    %dma_wait3A_45 = arith.constant 0 : i32
    %dma_wait3A_46 = tpu.memref_slice %arg14[%dma_wait3A_44, %dma_wait3A_45] : memref<10240x16xf32, #tpu.memory_space<vmem_shared>> -> memref<10240x16xf32, #tpu.memory_space<vmem_shared>>
    tpu.wait_indirect_dma semaphore(%arg23 : memref<!tpu.dma_semaphore, #tpu.memory_space<semaphore_mem>>) src(%arg12 : memref<200x16xf32, #tpu.memory_space<vmem>>) dst(%dma_wait3A_46 : memref<10240x16xf32, #tpu.memory_space<vmem_shared>>)
    %dma_wait3A_47 = arith.constant 49 : i32
    %dma_wait3A_48 = arith.constant 0 : i32
    %dma_wait3A_49 = tpu.memref_slice %arg7[%dma_wait3A_47, %dma_wait3A_48] : memref<50x200xi32, #tpu.memory_space<vmem>> -> memref<1x200xi32, #tpu.memory_space<vmem>>
    %dma_wait3A_50 = tpu.memref_squeeze %dma_wait3A_49 : memref<1x200xi32, #tpu.memory_space<vmem>> -> memref<200xi32, #tpu.memory_space<vmem>>
    %dma_wait3A_51 = arith.constant 0 : i32
    %dma_wait3A_52 = arith.constant 0 : i32
    %dma_wait3A_53 = tpu.memref_slice %arg14[%dma_wait3A_51, %dma_wait3A_52] : memref<10240x16xf32, #tpu.memory_space<vmem_shared>> -> memref<10240x16xf32, #tpu.memory_space<vmem_shared>>
    tpu.wait_indirect_dma semaphore(%arg24 : memref<!tpu.dma_semaphore, #tpu.memory_space<semaphore_mem>>) src(%arg13 : memref<200x16xf32, #tpu.memory_space<vmem>>) dst(%dma_wait3A_53 : memref<10240x16xf32, #tpu.memory_space<vmem_shared>>)
    %barrier3A_54 = arith.constant 0 : index
    tpu.barrier barrier_id(%barrier3A_54)
    "tpu.region"() ({
      %run_scoped3A = tpu.sem_alloc : memref<!tpu.dma_semaphore, #tpu.memory_space<semaphore_mem>>
      %dma_start3A_55 = arith.constant 0 : i32
      %dma_start3A_56 = tpu.memref_slice %arg6[%arg0, %mul3A_2, %dma_start3A_55] : memref<2x10240x16xf32, #tpu.memory_space<hbm>> -> memref<1x640x16xf32, #tpu.memory_space<hbm>>
      %dma_start3A_57 = tpu.memref_squeeze %dma_start3A_56 : memref<1x640x16xf32, #tpu.memory_space<hbm>> -> memref<640x16xf32, #tpu.memory_space<hbm>>
      %dma_start3A_58 = arith.constant 0 : i32
      %dma_start3A_59 = tpu.memref_slice %arg14[%mul3A_2, %dma_start3A_58] : memref<10240x16xf32, #tpu.memory_space<vmem_shared>> -> memref<640x16xf32, #tpu.memory_space<vmem_shared>>
      tpu.enqueue_dma source(%dma_start3A_59 : memref<640x16xf32, #tpu.memory_space<vmem_shared>>) target(%dma_start3A_57 : memref<640x16xf32, #tpu.memory_space<hbm>>) target_semaphore(%run_scoped3A : memref<!tpu.dma_semaphore, #tpu.memory_space<semaphore_mem>>)
      %dma_wait3A_60 = arith.constant 0 : i32
      %dma_wait3A_61 = tpu.memref_slice %arg6[%arg0, %mul3A_2, %dma_wait3A_60] : memref<2x10240x16xf32, #tpu.memory_space<hbm>> -> memref<1x640x16xf32, #tpu.memory_space<hbm>>
      %dma_wait3A_62 = tpu.memref_squeeze %dma_wait3A_61 : memref<1x640x16xf32, #tpu.memory_space<hbm>> -> memref<640x16xf32, #tpu.memory_space<hbm>>
      %dma_wait3A_63 = arith.constant 0 : i32
      %dma_wait3A_64 = tpu.memref_slice %arg14[%mul3A_2, %dma_wait3A_63] : memref<10240x16xf32, #tpu.memory_space<vmem_shared>> -> memref<640x16xf32, #tpu.memory_space<vmem_shared>>
      tpu.wait_dma2 semaphore(%run_scoped3A : memref<!tpu.dma_semaphore, #tpu.memory_space<semaphore_mem>>) src(%dma_wait3A_64 : memref<640x16xf32, #tpu.memory_space<vmem_shared>>) dst(%dma_wait3A_62 : memref<640x16xf32, #tpu.memory_space<hbm>>)
      tpu.yield
    }) : () -> ()
    return
  }
}

module attributes {stable_mosaic.version = 14 : i64} {
  func.func @body(%arg0: i32, %arg1: memref<1000x128xf32, #tpu.memory_space<vmem>>, %arg2: memref<128x64xf32, #tpu.memory_space<vmem>>, %arg3: memref<1000x64xf32, #tpu.memory_space<vmem>>) attributes {dimension_semantics = [#tpu.dimension_semantics<arbitrary>], iteration_bounds = array<i64: 10>, scalar_prefetch = 0 : i64, scratch_operands = 0 : i64, tpu.core_type = #tpu.core_type<tc>, window_params = [{transform_indices = @transform_0, window_bounds = array<i64: 1000, 128>}, {pipeline_mode = #tpu.pipeline_mode<synchronous>, transform_indices = @transform_1, window_bounds = array<i64: 128, 64>}, {transform_indices = @transform_2, window_bounds = array<i64: 1000, 64>}]} {
    %get3A = arith.constant 0 : index
    %get3A_0 = arith.constant 0 : index
    %get3A_1 = vector.load %arg1[%get3A, %get3A_0] : memref<1000x128xf32, #tpu.memory_space<vmem>>, vector<1000x128xf32>
    %get3A_2 = arith.constant 0 : index
    %get3A_3 = arith.constant 0 : index
    %get3A_4 = vector.load %arg2[%get3A_2, %get3A_3] : memref<128x64xf32, #tpu.memory_space<vmem>>, vector<128x64xf32>
    %dot_general3A = arith.constant dense<0.000000e+00> : vector<1000x64xf32>
    %dot_general3A_5 = tpu.matmul %get3A_1, %get3A_4, %dot_general3A {dimension_numbers = #tpu.dot_dimension_numbers<[1], [0], [0], [1], [0, 0, 1, 1], [], []>, transpose_lhs_hint = false} : vector<1000x128xf32>, vector<128x64xf32>, vector<1000x64xf32> -> vector<1000x64xf32>
    %swap3A = arith.constant 0 : index
    %swap3A_6 = arith.constant 0 : index
    %swap3A_7 = vector.load %arg3[%swap3A, %swap3A_6] : memref<1000x64xf32, #tpu.memory_space<vmem>>, vector<1000x64xf32>
    tpu.vector_store %arg3[%swap3A, %swap3A_6], %dot_general3A_5 {strides = array<i32>} : memref<1000x64xf32, #tpu.memory_space<vmem>>, vector<1000x64xf32>,
    return
  }
  func.func @transform_0(%arg0: i32) -> (i32, i32) {
    %c0_i32 = arith.constant 0 : i32
    %c0_i32_0 = arith.constant 0 : i32
    return %arg0, %c0_i32 : i32, i32
  }
  func.func @transform_1(%arg0: i32) -> (i32, i32) {
    %c0_i32 = arith.constant 0 : i32
    %c0_i32_0 = arith.constant 0 : i32
    %c0_i32_1 = arith.constant 0 : i32
    return %c0_i32, %c0_i32_0 : i32, i32
  }
  func.func @transform_2(%arg0: i32) -> (i32, i32) {
    %c0_i32 = arith.constant 0 : i32
    %c0_i32_0 = arith.constant 0 : i32
    return %arg0, %c0_i32 : i32, i32
  }
}

module attributes {stable_mosaic.version = 14 : i64} {
  func.func @body(%arg0: i32, %arg1: memref<2x1000x16xf32, #tpu.memory_space<vmem>>, %arg2: memref<1000x64xf32, #tpu.memory_space<vmem>>, %arg3: memref<1000x64xf32, #tpu.memory_space<vmem>>) attributes {dimension_semantics = [#tpu.dimension_semantics<arbitrary>], iteration_bounds = array<i64: 10>, scalar_prefetch = 0 : i64, scratch_operands = 0 : i64, tpu.core_type = #tpu.core_type<tc>, window_params = [{transform_indices = @transform_0, window_bounds = array<i64: 2, 1000, 16>}, {transform_indices = @transform_1, window_bounds = array<i64: 1000, 64>}, {transform_indices = @transform_2, window_bounds = array<i64: 1000, 64>}]} {
    %get3A = arith.constant 0 : index
    %get3A_0 = arith.constant 0 : index
    %get3A_1 = arith.constant 0 : index
    %get3A_2 = vector.load %arg1[%get3A, %get3A_0, %get3A_1] : memref<2x1000x16xf32, #tpu.memory_space<vmem>>, vector<1x1000x1xf32>
    %get3A_3 = vector.shape_cast %get3A_2 : vector<1x1000x1xf32> to vector<1000x1xf32>
    %get3A_4 = arith.constant 1 : index
    %get3A_5 = arith.constant 0 : index
    %get3A_6 = arith.constant 0 : index
    %get3A_7 = vector.load %arg1[%get3A_4, %get3A_5, %get3A_6] : memref<2x1000x16xf32, #tpu.memory_space<vmem>>, vector<1x1000x1xf32>
    %get3A_8 = vector.shape_cast %get3A_7 : vector<1x1000x1xf32> to vector<1000x1xf32>
    %add3A = arith.addf %get3A_3, %get3A_8 : vector<1000x1xf32>
    %add3A_9 = arith.constant 1.000000e+00 : f32
    %add3A_10 = vector.broadcast %add3A_9 : f32 to vector<1000x1xf32>
    %add3A_11 = arith.addf %add3A, %add3A_10 : vector<1000x1xf32>
    %rsqrt3A = math.rsqrt %add3A_11 : vector<1000x1xf32>
    %get3A_12 = arith.constant 0 : index
    %get3A_13 = arith.constant 0 : index
    %get3A_14 = vector.load %arg2[%get3A_12, %get3A_13] : memref<1000x64xf32, #tpu.memory_space<vmem>>, vector<1000x64xf32>
    %mul3A = vector.broadcast %rsqrt3A : vector<1000x1xf32> to vector<1000x64xf32>
    %mul3A_15 = arith.mulf %mul3A, %get3A_14 : vector<1000x64xf32>
    %swap3A = arith.constant 0 : index
    %swap3A_16 = arith.constant 0 : index
    %swap3A_17 = vector.load %arg3[%swap3A, %swap3A_16] : memref<1000x64xf32, #tpu.memory_space<vmem>>, vector<1000x64xf32>
    tpu.vector_store %arg3[%swap3A, %swap3A_16], %mul3A_15 {strides = array<i32>} : memref<1000x64xf32, #tpu.memory_space<vmem>>, vector<1000x64xf32>,
    return
  }
  func.func @transform_0(%arg0: i32) -> (i32, i32, i32) {
    %c0_i32 = arith.constant 0 : i32
    %c0_i32_0 = arith.constant 0 : i32
    %c0_i32_1 = arith.constant 0 : i32
    return %c0_i32, %arg0, %c0_i32_0 : i32, i32, i32
  }
  func.func @transform_1(%arg0: i32) -> (i32, i32) {
    %c0_i32 = arith.constant 0 : i32
    %c0_i32_0 = arith.constant 0 : i32
    return %arg0, %c0_i32 : i32, i32
  }
  func.func @transform_2(%arg0: i32) -> (i32, i32) {
    %c0_i32 = arith.constant 0 : i32
    %c0_i32_0 = arith.constant 0 : i32
    return %arg0, %c0_i32 : i32, i32
  }
}

module attributes {stable_mosaic.version = 14 : i64} {
  func.func @body(%arg0: i32, %arg1: memref<2x1000x16xf32, #tpu.memory_space<vmem>>, %arg2: memref<2x1000x64xf32, #tpu.memory_space<vmem>>, %arg3: memref<1000x64xf32, #tpu.memory_space<vmem>>, %arg4: memref<1x64xf32, #tpu.memory_space<vmem>>, %arg5: memref<64x16xf32, #tpu.memory_space<vmem>>, %arg6: memref<1000x16xf32, #tpu.memory_space<vmem>>) attributes {dimension_semantics = [#tpu.dimension_semantics<arbitrary>], iteration_bounds = array<i64: 10>, scalar_prefetch = 0 : i64, scratch_operands = 0 : i64, tpu.core_type = #tpu.core_type<tc>, window_params = [{transform_indices = @transform_0, window_bounds = array<i64: 2, 1000, 16>}, {transform_indices = @transform_1, window_bounds = array<i64: 2, 1000, 64>}, {transform_indices = @transform_2, window_bounds = array<i64: 1000, 64>}, {pipeline_mode = #tpu.pipeline_mode<synchronous>, transform_indices = @transform_3, window_bounds = array<i64: 1, 64>}, {pipeline_mode = #tpu.pipeline_mode<synchronous>, transform_indices = @transform_4, window_bounds = array<i64: 64, 16>}, {transform_indices = @transform_5, window_bounds = array<i64: 1000, 16>}]} {
    %get3A = arith.constant 0 : index
    %get3A_0 = arith.constant 0 : index
    %get3A_1 = arith.constant 0 : index
    %get3A_2 = vector.load %arg1[%get3A, %get3A_0, %get3A_1] : memref<2x1000x16xf32, #tpu.memory_space<vmem>>, vector<1x1000x1xf32>
    %get3A_3 = vector.shape_cast %get3A_2 : vector<1x1000x1xf32> to vector<1000x1xf32>
    %get3A_4 = arith.constant 1 : index
    %get3A_5 = arith.constant 0 : index
    %get3A_6 = arith.constant 0 : index
    %get3A_7 = vector.load %arg1[%get3A_4, %get3A_5, %get3A_6] : memref<2x1000x16xf32, #tpu.memory_space<vmem>>, vector<1x1000x1xf32>
    %get3A_8 = vector.shape_cast %get3A_7 : vector<1x1000x1xf32> to vector<1000x1xf32>
    %add3A = arith.addf %get3A_3, %get3A_8 : vector<1000x1xf32>
    %add3A_9 = arith.constant 1.000000e+00 : f32
    %add3A_10 = vector.broadcast %add3A_9 : f32 to vector<1000x1xf32>
    %add3A_11 = arith.addf %add3A, %add3A_10 : vector<1000x1xf32>
    %rsqrt3A = math.rsqrt %add3A_11 : vector<1000x1xf32>
    %get3A_12 = arith.constant 0 : index
    %get3A_13 = arith.constant 0 : index
    %get3A_14 = arith.constant 0 : index
    %get3A_15 = vector.load %arg2[%get3A_12, %get3A_13, %get3A_14] : memref<2x1000x64xf32, #tpu.memory_space<vmem>>, vector<1x1000x64xf32>
    %get3A_16 = vector.shape_cast %get3A_15 : vector<1x1000x64xf32> to vector<1000x64xf32>
    %get3A_17 = arith.constant 1 : index
    %get3A_18 = arith.constant 0 : index
    %get3A_19 = arith.constant 0 : index
    %get3A_20 = vector.load %arg2[%get3A_17, %get3A_18, %get3A_19] : memref<2x1000x64xf32, #tpu.memory_space<vmem>>, vector<1x1000x64xf32>
    %get3A_21 = vector.shape_cast %get3A_20 : vector<1x1000x64xf32> to vector<1000x64xf32>
    %add3A_22 = arith.addf %get3A_16, %get3A_21 : vector<1000x64xf32>
    %get3A_23 = arith.constant 0 : index
    %get3A_24 = arith.constant 0 : index
    %get3A_25 = vector.load %arg3[%get3A_23, %get3A_24] : memref<1000x64xf32, #tpu.memory_space<vmem>>, vector<1000x64xf32>
    %add3A_26 = arith.addf %add3A_22, %get3A_25 : vector<1000x64xf32>
    %mul3A = vector.broadcast %rsqrt3A : vector<1000x1xf32> to vector<1000x64xf32>
    %mul3A_27 = arith.mulf %mul3A, %add3A_26 : vector<1000x64xf32>
    %get3A_28 = arith.constant 0 : index
    %get3A_29 = arith.constant 0 : index
    %get3A_30 = vector.load %arg4[%get3A_28, %get3A_29] : memref<1x64xf32, #tpu.memory_space<vmem>>, vector<1x64xf32>
    %add3A_31 = vector.broadcast %get3A_30 : vector<1x64xf32> to vector<1000x64xf32>
    %add3A_32 = arith.addf %mul3A_27, %add3A_31 : vector<1000x64xf32>
    %max3A = arith.constant 0.000000e+00 : f32
    %max3A_33 = vector.broadcast %max3A : f32 to vector<1000x64xf32>
    %max3A_34 = arith.maximumf %add3A_32, %max3A_33 : vector<1000x64xf32>
    %get3A_35 = arith.constant 0 : index
    %get3A_36 = arith.constant 0 : index
    %get3A_37 = vector.load %arg5[%get3A_35, %get3A_36] : memref<64x16xf32, #tpu.memory_space<vmem>>, vector<64x16xf32>
    %dot_general3A = arith.constant dense<0.000000e+00> : vector<1000x16xf32>
    %dot_general3A_38 = tpu.matmul %max3A_34, %get3A_37, %dot_general3A {dimension_numbers = #tpu.dot_dimension_numbers<[1], [0], [0], [1], [0, 0, 1, 1], [], []>, transpose_lhs_hint = false} : vector<1000x64xf32>, vector<64x16xf32>, vector<1000x16xf32> -> vector<1000x16xf32>
    %mul3A_39 = vector.broadcast %rsqrt3A : vector<1000x1xf32> to vector<1000x16xf32>
    %mul3A_40 = arith.mulf %mul3A_39, %dot_general3A_38 : vector<1000x16xf32>
    %swap3A = arith.constant 0 : index
    %swap3A_41 = arith.constant 0 : index
    %swap3A_42 = vector.load %arg6[%swap3A, %swap3A_41] : memref<1000x16xf32, #tpu.memory_space<vmem>>, vector<1000x16xf32>
    tpu.vector_store %arg6[%swap3A, %swap3A_41], %mul3A_40 {strides = array<i32>} : memref<1000x16xf32, #tpu.memory_space<vmem>>, vector<1000x16xf32>,
    return
  }
  func.func @transform_0(%arg0: i32) -> (i32, i32, i32) {
    %c0_i32 = arith.constant 0 : i32
    %c0_i32_0 = arith.constant 0 : i32
    %c0_i32_1 = arith.constant 0 : i32
    return %c0_i32, %arg0, %c0_i32_0 : i32, i32, i32
  }
  func.func @transform_1(%arg0: i32) -> (i32, i32, i32) {
    %c0_i32 = arith.constant 0 : i32
    %c0_i32_0 = arith.constant 0 : i32
    %c0_i32_1 = arith.constant 0 : i32
    return %c0_i32, %arg0, %c0_i32_0 : i32, i32, i32
  }
  func.func @transform_2(%arg0: i32) -> (i32, i32) {
    %c0_i32 = arith.constant 0 : i32
    %c0_i32_0 = arith.constant 0 : i32
    return %arg0, %c0_i32 : i32, i32
  }
  func.func @transform_3(%arg0: i32) -> (i32, i32) {
    %c0_i32 = arith.constant 0 : i32
    %c0_i32_0 = arith.constant 0 : i32
    %c0_i32_1 = arith.constant 0 : i32
    return %c0_i32, %c0_i32_0 : i32, i32
  }
  func.func @transform_4(%arg0: i32) -> (i32, i32) {
    %c0_i32 = arith.constant 0 : i32
    %c0_i32_0 = arith.constant 0 : i32
    %c0_i32_1 = arith.constant 0 : i32
    return %c0_i32, %c0_i32_0 : i32, i32
  }
  func.func @transform_5(%arg0: i32) -> (i32, i32) {
    %c0_i32 = arith.constant 0 : i32
    %c0_i32_0 = arith.constant 0 : i32
    return %arg0, %c0_i32 : i32, i32
  }
}

module attributes {stable_mosaic.version = 14 : i64} {
  func.func @body(%arg0: i32, %arg1: memref<2x1000x16xf32, #tpu.memory_space<vmem>>, %arg2: memref<2x1000x16xf32, #tpu.memory_space<vmem>>, %arg3: memref<1000x16xf32, #tpu.memory_space<vmem>>, %arg4: memref<1x16xf32, #tpu.memory_space<vmem>>, %arg5: memref<1000x16xf32, #tpu.memory_space<vmem>>) attributes {dimension_semantics = [#tpu.dimension_semantics<arbitrary>], iteration_bounds = array<i64: 10>, scalar_prefetch = 0 : i64, scratch_operands = 0 : i64, tpu.core_type = #tpu.core_type<tc>, window_params = [{transform_indices = @transform_0, window_bounds = array<i64: 2, 1000, 16>}, {transform_indices = @transform_1, window_bounds = array<i64: 2, 1000, 16>}, {transform_indices = @transform_2, window_bounds = array<i64: 1000, 16>}, {pipeline_mode = #tpu.pipeline_mode<synchronous>, transform_indices = @transform_3, window_bounds = array<i64: 1, 16>}, {transform_indices = @transform_4, window_bounds = array<i64: 1000, 16>}]} {
    %get3A = arith.constant 0 : index
    %get3A_0 = arith.constant 0 : index
    %get3A_1 = arith.constant 0 : index
    %get3A_2 = vector.load %arg1[%get3A, %get3A_0, %get3A_1] : memref<2x1000x16xf32, #tpu.memory_space<vmem>>, vector<1x1000x1xf32>
    %get3A_3 = vector.shape_cast %get3A_2 : vector<1x1000x1xf32> to vector<1000x1xf32>
    %get3A_4 = arith.constant 1 : index
    %get3A_5 = arith.constant 0 : index
    %get3A_6 = arith.constant 0 : index
    %get3A_7 = vector.load %arg1[%get3A_4, %get3A_5, %get3A_6] : memref<2x1000x16xf32, #tpu.memory_space<vmem>>, vector<1x1000x1xf32>
    %get3A_8 = vector.shape_cast %get3A_7 : vector<1x1000x1xf32> to vector<1000x1xf32>
    %add3A = arith.addf %get3A_3, %get3A_8 : vector<1000x1xf32>
    %add3A_9 = arith.constant 1.000000e+00 : f32
    %add3A_10 = vector.broadcast %add3A_9 : f32 to vector<1000x1xf32>
    %add3A_11 = arith.addf %add3A, %add3A_10 : vector<1000x1xf32>
    %rsqrt3A = math.rsqrt %add3A_11 : vector<1000x1xf32>
    %get3A_12 = arith.constant 0 : index
    %get3A_13 = arith.constant 0 : index
    %get3A_14 = arith.constant 0 : index
    %get3A_15 = vector.load %arg2[%get3A_12, %get3A_13, %get3A_14] : memref<2x1000x16xf32, #tpu.memory_space<vmem>>, vector<1x1000x16xf32>
    %get3A_16 = vector.shape_cast %get3A_15 : vector<1x1000x16xf32> to vector<1000x16xf32>
    %get3A_17 = arith.constant 1 : index
    %get3A_18 = arith.constant 0 : index
    %get3A_19 = arith.constant 0 : index
    %get3A_20 = vector.load %arg2[%get3A_17, %get3A_18, %get3A_19] : memref<2x1000x16xf32, #tpu.memory_space<vmem>>, vector<1x1000x16xf32>
    %get3A_21 = vector.shape_cast %get3A_20 : vector<1x1000x16xf32> to vector<1000x16xf32>
    %add3A_22 = arith.addf %get3A_16, %get3A_21 : vector<1000x16xf32>
    %get3A_23 = arith.constant 0 : index
    %get3A_24 = arith.constant 0 : index
    %get3A_25 = vector.load %arg3[%get3A_23, %get3A_24] : memref<1000x16xf32, #tpu.memory_space<vmem>>, vector<1000x16xf32>
    %add3A_26 = arith.addf %add3A_22, %get3A_25 : vector<1000x16xf32>
    %mul3A = vector.broadcast %rsqrt3A : vector<1000x1xf32> to vector<1000x16xf32>
    %mul3A_27 = arith.mulf %mul3A, %add3A_26 : vector<1000x16xf32>
    %get3A_28 = arith.constant 0 : index
    %get3A_29 = arith.constant 0 : index
    %get3A_30 = vector.load %arg4[%get3A_28, %get3A_29] : memref<1x16xf32, #tpu.memory_space<vmem>>, vector<1x16xf32>
    %add3A_31 = vector.broadcast %get3A_30 : vector<1x16xf32> to vector<1000x16xf32>
    %add3A_32 = arith.addf %mul3A_27, %add3A_31 : vector<1000x16xf32>
    %swap3A = arith.constant 0 : index
    %swap3A_33 = arith.constant 0 : index
    %swap3A_34 = vector.load %arg5[%swap3A, %swap3A_33] : memref<1000x16xf32, #tpu.memory_space<vmem>>, vector<1000x16xf32>
    tpu.vector_store %arg5[%swap3A, %swap3A_33], %add3A_32 {strides = array<i32>} : memref<1000x16xf32, #tpu.memory_space<vmem>>, vector<1000x16xf32>,
    return
  }
  func.func @transform_0(%arg0: i32) -> (i32, i32, i32) {
    %c0_i32 = arith.constant 0 : i32
    %c0_i32_0 = arith.constant 0 : i32
    %c0_i32_1 = arith.constant 0 : i32
    return %c0_i32, %arg0, %c0_i32_0 : i32, i32, i32
  }
  func.func @transform_1(%arg0: i32) -> (i32, i32, i32) {
    %c0_i32 = arith.constant 0 : i32
    %c0_i32_0 = arith.constant 0 : i32
    %c0_i32_1 = arith.constant 0 : i32
    return %c0_i32, %arg0, %c0_i32_0 : i32, i32, i32
  }
  func.func @transform_2(%arg0: i32) -> (i32, i32) {
    %c0_i32 = arith.constant 0 : i32
    %c0_i32_0 = arith.constant 0 : i32
    return %arg0, %c0_i32 : i32, i32
  }
  func.func @transform_3(%arg0: i32) -> (i32, i32) {
    %c0_i32 = arith.constant 0 : i32
    %c0_i32_0 = arith.constant 0 : i32
    %c0_i32_1 = arith.constant 0 : i32
    return %c0_i32, %c0_i32_0 : i32, i32
  }
  func.func @transform_4(%arg0: i32) -> (i32, i32) {
    %c0_i32 = arith.constant 0 : i32
    %c0_i32_0 = arith.constant 0 : i32
    return %arg0, %c0_i32 : i32, i32
  }
}

</mosaic_0001>

<sc_bundles>
// kernel: kernel.12.cloned.1.call-start
scs
__scs_entry_jumppad:
0x0: {  	(pc) =	sbr.rel $0x88, $3  }
0x1: {  	(tag) =	ssettag $0x0;
	lr =	simm.s32 $0x1  }
0x2: {  	[smem:$0x3F9B] =	sst lr;
	_ =	strace $0xD0000000  }
0x3: {  	_ = 	snop  }
0x4: {  	_ = 	snop  }
0x5: {  	_ = 	snop  }
0x6: {  	_ = 	snop  }
0x7: {  	_ = 	snop  }
__scs_overlays_trampoline_lowered:
0x8: {  	[smem:$0x3FAA] =	sst s0  }
0x9: {  	[smem:$0x3FAB] =	sst s1  }
0xa: {  	[smem:$0x3FAC] =	sst s2  }
0xb: {  	[smem:$0x3FAD] =	sst s3  }
0xc: {  	[smem:$0x3FAE] =	sst s4  }
0xd: {  	[smem:$0x3FAF] =	sst s5  }
0xe: {  	[smem:$0x3FB0] =	sst s6  }
0xf: {  	[smem:$0x3FB1] =	sst s7  }
0x10: {  	[smem:$0x3FB2] =	sst s8  }
0x11: {  	[smem:$0x3FB3] =	sst s9;
	s0 =	simm.s32 @!p0 $0x0  }
0x12: {  	s1 =	sld [smem:$0x3F99];
	s0 =	simm.s32 @p0 $0x1  }
0x13: {  	[smem:$0x3FB4] =	sst s0;
	s0 =	simm.s32 @!p1 $0x0  }
0x14: {  	s2 =	sld [smem:$0x3F98];
	s0 =	simm.s32 @p1 $0x1  }
0x15: {  	[smem:$0x3FB5] =	sst s0;
	s0 =	simm.s32 @!p2 $0x0  }
0x16: {  	s3 =	sld [smem:$0x3FDB];
	s0 =	simm.s32 @p2 $0x1  }
0x17: {  	s4 =	simm.s32 $0x1BF5;
	[smem:$0x3FB7] =	sst s0  }
0x18: {  	s0 =	sld [smem:$0x3F9A];
	_ =	swait.ge [sflag:s4], $0x0  }
0x19: {  	s7 =	sld [smem:$0x3F9B]  }
0x1a: {  	s8 =	sadd.s32 $0xFFFFE003, lr  }
0x1b: {  	s9 =	sadd.s32 $0xFFFFFEF7, lr;
	s5 =	simm.s32 $0xFFFFFFFF;
	p2 =	slt.u32 s8, $0xFFFFF086  }
0x1c: {  	p1 =	slt.u32 s9, $0xF7A;
	s5 =	simm.s32 @!p2 $0x0  }
0x1d: {  	s5 =	simm.s32 @p1 $0x1;
	p0 =	seq.s32 s7, s2  }
0x1e: {  	s7 =	smul.u32 @!p0 $0xF7A, s2;
	p2 =	seq.s32 @!p0 s5, $0x0  }
0x1f: {  	s9 =	smul.u32 $0xF7A, s1;
	s8 =	simm.s32 @!p0 $0x1BF5;
	p2 =	por !p2, p0  }
0x20: {  	[sflag:s8] =	ssyncset.s32 @!p0 $0xFFFFF086;
	s6 =	sadd.s32 @!p0 s3, s7;
	s7 =	simm.s32 @!p0 $0x108  }
0x21: {  	s3 =	sadd.s32 s3, s9;
	s6 =	sadd.s32 @!p0 $0x88, s6;
	s7 =	simm.s32 @p2 $0x1082  }
0x22: {  	[simem:s7], [sflag:s8] =	dma.local @!p0 [hbm:s6], $0xF7A  }
0x23: {  	s9 =	sor.u32 $0xD0000000, s2;
	s6 =	simm.s32 $0x108;
	_ =	swait.ge @!p0 [sflag:s8], $0x0  }
0x24: {  	s3 =	sadd.s32 $0x88, s3;
	s6 =	simm.s32 @!p1 $0x1082;
	[sflag:s4] =	ssyncset.s32 $0xFFFFF086  }
0x25: {  	[simem:s6], [sflag:s4] =	dma.local [hbm:s3], $0xF7A  }
0x26: {  	[smem:$0x3F9B] =	sst s1;
	(tag) =	ssettag s2;
	_ =	strace s9  }
0x27: {  	s1 =	sld [smem:$0x3FAB]  }
0x28: {  	s2 =	sld [smem:$0x3FAC]  }
0x29: {  	s4 =	sld [smem:$0x3FAE]  }
0x2a: {  	p0 =	seq.s32 s5, $0x0;
	s5 =	sld [smem:$0x3FAF]  }
0x2b: {  	s6 =	sld [smem:$0x3FB0]  }
0x2c: {  	s7 =	sld [smem:$0x3FB1]  }
0x2d: {  	s3 =	simm.s32 $0x108;
	s8 =	sld [smem:$0x3FB2]  }
0x2e: {  	s3 =	simm.s32 @!p0 $0x1082;
	s9 =	sld [smem:$0x3FB3]  }
0x2f: {  	lr =	sadd.s32 s0, s3;
	s0 =	sld [smem:$0x3FAA]  }
0x30: {  	s3 =	sld [smem:$0x3FAD]  }
0x31: {  	[smem:$0x3FB6] =	sst s10  }
0x32: {  	s10 =	sld [smem:$0x3FB4];
	_ =	sdelay $0x3  }
0x33: {  	p0 =	seq.s32 s10, $0x1;
	s10 =	sld [smem:$0x3FB6];
	_ =	sdelay $0x3  }
0x34: {  	[smem:$0x3FB6] =	sst s10  }
0x35: {  	s10 =	sld [smem:$0x3FB5];
	_ =	sdelay $0x3  }
0x36: {  	p1 =	seq.s32 s10, $0x1;
	s10 =	sld [smem:$0x3FB6];
	_ =	sdelay $0x3  }
0x37: {  	[smem:$0x3FB6] =	sst s10  }
0x38: {  	s10 =	sld [smem:$0x3FB7]  }
0x39: {  	_ = 	snop;
	(pc) =	sbr.ind lr, $3  }
0x3a: {  	_ = 	snop  }
0x3b: {  	_ = 	snop  }
0x3c: {  	p2 =	seq.s32 s10, $0x1;
	s10 =	sld [smem:$0x3FB6]  }
0x3d: {  	_ =	shalt  }
0x3e: {  	_ =	shalt  }
0x3f: {  	_ =	shalt  }
0x40: {  	_ =	shalt  }
0x41: {  	_ =	shalt  }
0x42: {  	_ =	shalt  }
0x43: {  	_ =	shalt  }
0x44: {  	_ =	shalt  }
0x45: {  	_ =	shalt  }
0x46: {  	_ =	shalt  }
0x47: {  	_ =	shalt  }
0x48: {  	_ =	shalt  }
0x49: {  	_ =	shalt  }
0x4a: {  	_ =	shalt  }
0x4b: {  	_ =	shalt  }
0x4c: {  	_ =	shalt  }
0x4d: {  	_ =	shalt  }
0x4e: {  	_ =	shalt  }
0x4f: {  	_ =	shalt  }
0x50: {  	_ =	shalt  }
0x51: {  	_ =	shalt  }
0x52: {  	_ =	shalt  }
0x53: {  	_ =	shalt  }
0x54: {  	_ =	shalt  }
0x55: {  	_ =	shalt  }
0x56: {  	_ =	shalt  }
0x57: {  	_ =	shalt  }
0x58: {  	_ =	shalt  }
0x59: {  	_ =	shalt  }
0x5a: {  	_ =	shalt  }
0x5b: {  	_ =	shalt  }
0x5c: {  	_ =	shalt  }
0x5d: {  	_ =	shalt  }
0x5e: {  	_ =	shalt  }
0x5f: {  	_ =	shalt  }
0x60: {  	_ =	shalt  }
0x61: {  	_ =	shalt  }
0x62: {  	_ =	shalt  }
0x63: {  	_ =	shalt  }
0x64: {  	_ =	shalt  }
0x65: {  	_ =	shalt  }
0x66: {  	_ =	shalt  }
0x67: {  	_ =	shalt  }
0x68: {  	_ =	shalt  }
0x69: {  	_ =	shalt  }
0x6a: {  	_ =	shalt  }
0x6b: {  	_ =	shalt  }
0x6c: {  	_ =	shalt  }
0x6d: {  	_ =	shalt  }
0x6e: {  	_ =	shalt  }
0x6f: {  	_ =	shalt  }
0x70: {  	_ =	shalt  }
0x71: {  	_ =	shalt  }
0x72: {  	_ =	shalt  }
0x73: {  	_ =	shalt  }
0x74: {  	_ =	shalt  }
0x75: {  	_ =	shalt  }
0x76: {  	_ =	shalt  }
0x77: {  	_ =	shalt  }
0x78: {  	_ =	shalt  }
0x79: {  	_ =	shalt  }
0x7a: {  	_ =	shalt  }
0x7b: {  	_ =	shalt  }
0x7c: {  	_ =	shalt  }
0x7d: {  	_ =	shalt  }
0x7e: {  	_ =	shalt  }
0x7f: {  	_ =	shalt  }
0x80: {  	_ =	shalt  }
0x81: {  	_ =	shalt  }
0x82: {  	_ =	shalt  }
0x83: {  	_ =	shalt  }
0x84: {  	_ =	shalt  }
0x85: {  	_ =	shalt  }
0x86: {  	_ =	shalt  }
0x87: {  	_ =	shalt  }
.Lfunc_end0:
.L_simem_size_0:
called_computation.1_lowered:
.L_overlay_start_0:
0x88: {  	s2 =	sld [smem:$0x3FD9]  }
0x89: {  	s3 =	sld [smem:$0x3FFE];
	_ =	sdelay $0x1  }
0x8a: {  	s1 =	srdreg.scid  }
0x8b: {  	s0 =	sand.u32 $0x1, s1  }
0x8c: {  	s16 =	sshll.u32 s0, $0xA;
	s2 =	sadd.s32 s3, s2  }
0x8d: {  	s2 =	sadd.s32 s2, s16  }
0x8e: {  	[smem:$0x3FC2] =	sst s2  }
0x8f: {  	_ = 	snop  }
0x90: {  	(tm) =	ssettm $0x1  }
0x91: {  	s17 =	sld [smem:$0x3FFB];
	_ =	sdelay $0x3  }
0x92: {  	_ =	strace s17  }
0x93: {  	s2 =	sld [smem:$0x3FFC];
	_ =	sdelay $0x3  }
0x94: {  	_ =	strace s2  }
0x95: {  	s2 =	sld [smem:$0x3FFD];
	_ =	sdelay $0x3  }
0x96: {  	_ =	strace s2  }
0x97: {  	_ =	strace $0x8FFFFFFF  }
0x98: {  	s18 =	sld [smem:$0x3FDB];
	_ =	sdelay $0x1  }
0x99: {  	s19 =	simm.s32 $_scs_section_size  }
0x9a: {  	s4 =	simm.s32 $_size__tile_overlayer_lowered;
	s5 =	simm.s32 $_tile_overlayer_lowered  }
0x9b: {  	s22 =	simm.s32 $0x1BFF;
	s21 =	sshll.u32 s5, $0x1;
	s2 =	sadd.s32 s19, s18  }
0x9c: {  	s6 =	simm.s32 $0x0;
	s20 =	sshll.u32 s4, $0x1;
	s4 =	sadd.s32 s21, s2  }
0x9d: {  	[timem:s6], [sflag:s22] =	dma.local [hbm:s4], s20  }
0x9e: {  	_ =	swait.ge [sflag:s22], s20  }
0x9f: {  	s3 =	ssub.s32 $0x0, s20;
	[sflag:s22] =	ssyncset.done $0x0  }
0xa0: {  	[sflag:s22] =	ssyncadd.s32 s3;
	_ =	sdelay $0x1  }
0xa1: {  	s23 =	simm.s32 $0x1B8B  }
0xa2: {  	_ =	swait.ge [sflag:s23], $0x1  }
0xa3: {  	[sflag:s23] =	ssyncset.done $0x0  }
0xa4: {  	s25 =	simm.s32 $0x1B8E;
	s24 =	sld [smem:$0x3FFE];
	[sflag:s23] =	ssyncadd.s32 $0xFFFFFFFF  }
0xa5: {  	s26 =	simm.s32 $execute0_lowered;
	[smem:$0x3FD2] =	sst s25  }
0xa6: {  	s4 =	sshll.u32 s26, $0x1;
	_ =	strace $0x80000049;
	[dreg:$0x1] =	wrdreg $0xFFFFFFFF  }
0xa7: {  	s28 =	simm.s32 $_size_execute0_lowered;
	s2 =	sadd.s32 s2, s4;
	[dreg:$0x0] =	wrdreg $0x0  }
0xa8: {  	s4 =	sshll.u32 s28, $0x1;
	[dreg:$0x2] =	wrdreg s2  }
0xa9: {  	[dreg:$0x3] =	wrdreg s4  }
0xaa: {  	[dreg:$0x4] =	wrdreg $0xC0  }
0xab: {  	_ =	task [dreg:s6], $0x5FFFF  }
0xac: {  	[dreg:$0x1] =	wrdreg $0xFFFFFFFF  }
0xad: {  	[dreg:$0x0] =	wrdreg $0x60  }
0xae: {  	[dreg:$0x2] =	wrdreg s24  }
0xaf: {  	[dreg:$0x3] =	wrdreg $0x148200  }
0xb0: {  	[dreg:$0x4] =	wrdreg $0x9  }
0xb1: {  	_ =	task.clear_ibuf [dreg:s6], $0x5FFFF;
	_ =	strace $0x90000049  }
0xb2: {  	s29 =	simm.s32 $0x9;
	_ =	strace $0x8000004B  }
0xb3: {  	_ =	swait.ge [sflag:s29], $0x1  }
0xb4: {  	[sflag:s29] =	ssyncadd.s32 $0xFFFFFFFF  }
0xb5: {  	_ =	strace $0x9000004B  }
0xb6: {  	_ =	sfence  }
0xb7: {  	s30 =	sld [smem:$0x0];
	_ =	sdelay $0x2  }
0xb8: {  	s31 =	sshll.u32 s1, $0xD;
	s1 =	sshrl.u32 s1, $0x2  }
0xb9: {  	s3 =	sand.u32 $0x4000, s31;
	s1 =	sadd.s32 s1, s30  }
0xba: {  	s0 =	sor.u32 s3, s0;
	s1 =	sshll.u32 s1, $0x11  }
0xbb: {  	s0 =	sor.u32 s1, s0  }
0xbc: {  	s0 =	sadd.s32 $0x8F2B, s0  }
0xbd: {  	[sflag:s0] =	ssyncadd.remote.s32 $0x1  }
0xbe: {  	_ =	sfence.sel $0xFFFF  }
0xbf: {  	[dreg:$0x0] =	wrdreg $0xFFFFFFFF;
	(pc) =	sbr.abs _section_cstart, $3  }
0xc0: {  	[dreg:$0x1] =	wrdreg $0xFFFFFFFF  }
0xc1: {  	_ =	task.clear_ibuf [dreg:s6], $0x2FFFF;
	_ =	strace $0x9FFFFFFF  }
0xc2: {  	(tm) =	ssettm $0x7FFFFFFF  }
0xc3: {  	_ =	shalt  }
tec
execute0_lowered:
.L_overlay_start_1:
0x0: {  	(tag) =	ssettag $0x1  }
0x1: {  	s0 =	srdreg.scid  }
0x2: {  	s10 =	stileid.u32;
	s5 =	rddreg [dreg:$0x0]  }
0x3: {  	s2 =	rddreg [dreg:$0x1];
	s3 =	simm.s32 $0x0;
	s11 =	simm.s32 $0x2710  }
0x4: {  	s14 =	simm.s32 $0xC8;
	s15 =	simm.s32 $0x4E20;
	s17 =	simm.s32 $0x8020  }
0x5: {  	s18 =	simm.s32 $0x1;
	s20 =	simm.s32 $0xB220;
	s21 =	simm.s32 $0x2  }
0x6: {  	s23 =	simm.s32 $0xE420;
	s28 =	simm.s32 $0x11620;
	s29 =	simm.s32 $0x4  }
0x7: {  	s31 =	simm.s32 $0x6;
	s19 =	simm.s32 $0x7;
	s30 =	simm.s32 $0xA  }
0x8: {  	s0 =	sand.u32 $0x1, s0;
	s7 =	smul.u32 $0xA000, s10;
	[smem:$0x7FF] =	sst s3  }
0x9: {  	s4 =	sadd.s32 $0x1A000, s5;
	s26 =	sshll.u32 s10, $0x6;
	s1 =	sshll.u32 s0, $0x4  }
0xa: {  	s6 =	smul.u32 $0xA0000, s0;
	_ =	strace $0x8000004A;
	s0 =	ssub.s32 $0x2, s0  }
0xb: {  	s12 =	sor.u32 $0x1C0B, s26;
	s26 =	simm.s32 $0x9;
	s1 =	sor.u32 s10, s1  }
0xc: {  	s8 =	sshrl.u32 s7, $0x3;
	s9 =	sshrl.u32 s0, $0x1;
	s25 =	sadd.s32 s7, s2  }
0xd: {  	s10 =	simm.s32 $0xB;
	s1 =	smul.u32 $0x4E2, s1;
	s6 =	sadd.s32 s7, s6  }
0xe: {  	s8 =	sadd.s32 s8, s5;
	s0 =	ssub.s32 s0, s9;
	s13 =	sshrl.u32 s25, $0x3  }
.Ltmp0:
0xf: {  	s25 =	simm.s32 $0x8;
	s6 =	sshrl.u32 s6, $0x3;
	(pc) =	sbr.rel .LBB2_1-.Ltmp0, $4  }
0x10: {  	s7 =	sadd.s32 $0x2DA00, s8;
	s9 =	smax.u32 s0, $0x1;
	s1 =	sadd.s32 s1, s5  }
0x11: {  	s0 =	simm.s32 $0x5;
	s5 =	sadd.s32 s6, s5;
	s24 =	sadd.s32 $0xB200, s1  }
0x12: {  	s1 =	sadd.s32 $0x1400, s1;
	s8 =	sadd.s32 $0x41A00, s5;
	[dreg:$0x3] =	wrdreg s24  }
0x13: {  	[dreg:$0x4] =	wrdreg s1;
	s24 =	simm.s32 $0x3;
	s1 =	simm.s32 $0x0  }
.LBB2_4:
0x14: {  	_ =	swait.ge [sflag:s0], $0x3200  }
0x15: {  	[sflag:s0] =	ssyncset.done $0x0  }
0x16: {  	[sflag:s0] =	ssyncadd.s32 $0xFFFFCE00  }
0x17: {  	[spmem:s2] =	stream.indirect.scatter.add.f32 [tilespmem:s28], [sflag:$0xA], $0x40, s5, s14, $0xb8;
	[tilespmem:$0x1E820] =	vst v63  }
0x18: {  	_ =	swait.ge [sflag:s31], $0x3200  }
0x19: {  	[sflag:s31] =	ssyncset.done $0x0  }
0x1a: {  	[sflag:s31] =	ssyncadd.s32 $0xFFFFCE00  }
0x1b: {  	_ =	swait.ge [sflag:s19], $0x3200  }
0x1c: {  	[sflag:s19] =	ssyncset.done $0x0  }
0x1d: {  	[sflag:s19] =	ssyncadd.s32 $0xFFFFCE00  }
0x1e: {  	_ =	swait.ge [sflag:s25], $0x3200  }
0x1f: {  	[sflag:s25] =	ssyncset.done $0x0  }
0x20: {  	[sflag:s25] =	ssyncadd.s32 $0xFFFFCE00  }
0x21: {  	_ =	swait.ge [sflag:s26], $0x3200  }
0x22: {  	[sflag:s26] =	ssyncset.done $0x0  }
0x23: {  	[sflag:s26] =	ssyncadd.s32 $0xFFFFCE00  }
0x24: {  	_ =	swait.ge [sflag:s30], $0x3200  }
0x25: {  	s1 =	sadd.s32 $0x1, s1;
	[sflag:s30] =	ssyncset.done $0x0  }
0x26: {  	p0 =	sne.s32 s1, s9;
	[sflag:s30] =	ssyncadd.s32 $0xFFFFCE00  }
.Ltmp1:
0x27: {  	[bflag:$0x0] =	sbarrier.arrive $0xFFFF;
	(pc) =	sbr.rel @!p0 .LBB2_5-.Ltmp1, $4  }
0x28: {  	[hbm:s8], [sflag:s12] =	dma.local [spmem:s13], $0x1400  }
0x29: {  	_ =	swait.ge [sflag:s10], $0x1400  }
0x2a: {  	[sflag:s10] =	ssyncset.done $0x0  }
0x2b: {  	[sflag:s10] =	ssyncadd.s32 $0xFFFFEC00  }
.LBB2_1:
0x2c: {  	s5 =	rddreg [dreg:$0x3]  }
0x2d: {  	[tilespmem:s3], [sflag:$0xB] =	stream.linear.gather [hbm4b:s5+s3], $0x2710, $0x38;
	[tilespmem:$0x1E820] =	vst v63  }
0x2e: {  	_ =	swait.ge [sflag:s10], $0x2710  }
0x2f: {  	[sflag:s10] =	ssyncset.done $0x0  }
0x30: {  	s22 =	rddreg [dreg:$0x4];
	[sflag:s10] =	ssyncadd.s32 $0xFFFFD8F0  }
0x31: {  	[tilespmem:s11], [sflag:$0xB] =	stream.linear.gather [hbm4b:s22+s3], $0x2710, $0x38;
	[tilespmem:$0x1E820] =	vst v63  }
0x32: {  	_ =	swait.ge [sflag:s10], $0x2710  }
0x33: {  	[sflag:s10] =	ssyncset.done $0x0  }
0x34: {  	[sflag:s10] =	ssyncadd.s32 $0xFFFFD8F0  }
0x35: {  	[spmem:s13], [sflag:s12] =	dma.local [hbm:s7], $0x1400  }
0x36: {  	_ =	swait.ge [sflag:s10], $0x1400  }
0x37: {  	[sflag:s10] =	ssyncset.done $0x0  }
0x38: {  	[sflag:s10] =	ssyncadd.s32 $0xFFFFEC00  }
0x39: {  	[bflag:$0x0] =	sbarrier.arrive $0xFFFF  }
0x3a: {  	[tilespmem:s15], [sflag:$0x1] =	stream.indirect.gather [hbm4b:s4+s14], $0x40, s11, s14, $0xb8;
	[tilespmem:$0x1E820] =	vst v63  }
0x3b: {  	s6 =	simm.s32 $0x27D8  }
0x3c: {  	[tilespmem:s17], [sflag:$0x2] =	stream.indirect.gather [hbm4b:s4+s14], $0x40, s6, s14, $0xb8;
	[tilespmem:$0x1E820] =	vst v63  }
0x3d: {  	_ =	swait.ge [sflag:s18], $0x3200  }
0x3e: {  	[sflag:s18] =	ssyncset.done $0x0  }
0x3f: {  	[sflag:s18] =	ssyncadd.s32 $0xFFFFCE00  }
0x40: {  	[spmem:s2] =	stream.indirect.scatter.add.f32 [tilespmem:s15], [sflag:$0x6], $0x40, s3, s14, $0xb8;
	[tilespmem:$0x1E820] =	vst v63  }
0x41: {  	s16 =	simm.s32 $0x28A0  }
0x42: {  	[tilespmem:s20], [sflag:$0x3] =	stream.indirect.gather [hbm4b:s4+s14], $0x40, s16, s14, $0xb8;
	[tilespmem:$0x1E820] =	vst v63  }
0x43: {  	_ =	swait.ge [sflag:s21], $0x3200  }
0x44: {  	[sflag:s21] =	ssyncset.done $0x0  }
0x45: {  	[sflag:s21] =	ssyncadd.s32 $0xFFFFCE00  }
0x46: {  	[spmem:s2] =	stream.indirect.scatter.add.f32 [tilespmem:s17], [sflag:$0x7], $0x40, s14, s14, $0xb8;
	[tilespmem:$0x1E820] =	vst v63  }
0x47: {  	s22 =	simm.s32 $0x2968  }
0x48: {  	[tilespmem:s23], [sflag:$0x4] =	stream.indirect.gather [hbm4b:s4+s14], $0x40, s22, s14, $0xb8;
	[tilespmem:$0x1E820] =	vst v63  }
0x49: {  	_ =	swait.ge [sflag:s24], $0x3200  }
0x4a: {  	[sflag:s24] =	ssyncset.done $0x0  }
0x4b: {  	s6 =	simm.s32 $0x190;
	[sflag:s24] =	ssyncadd.s32 $0xFFFFCE00  }
0x4c: {  	[spmem:s2] =	stream.indirect.scatter.add.f32 [tilespmem:s20], [sflag:$0x8], $0x40, s6, s14, $0xb8;
	[tilespmem:$0x1E820] =	vst v63  }
0x4d: {  	s16 =	simm.s32 $0x2A30  }
0x4e: {  	[tilespmem:s28], [sflag:$0x5] =	stream.indirect.gather [hbm4b:s4+s14], $0x40, s16, s14, $0xb8;
	[tilespmem:$0x1E820] =	vst v63  }
0x4f: {  	_ =	swait.ge [sflag:s29], $0x3200  }
0x50: {  	[sflag:s29] =	ssyncset.done $0x0  }
0x51: {  	s22 =	simm.s32 $0x258;
	[sflag:s29] =	ssyncadd.s32 $0xFFFFCE00  }
0x52: {  	[spmem:s2] =	stream.indirect.scatter.add.f32 [tilespmem:s23], [sflag:$0x9], $0x40, s22, s14, $0xb8;
	[tilespmem:$0x1E820] =	vst v63  }
0x53: {  	_ =	swait.ge [sflag:s31], $0x3200  }
0x54: {  	[sflag:s31] =	ssyncset.done $0x0  }
0x55: {  	s6 =	simm.s32 $0x2AF8;
	[sflag:s31] =	ssyncadd.s32 $0xFFFFCE00  }
0x56: {  	[tilespmem:s15], [sflag:$0x1] =	stream.indirect.gather [hbm4b:s4+s14], $0x40, s6, s14, $0xb8;
	[tilespmem:$0x1E820] =	vst v63  }
0x57: {  	_ =	swait.ge [sflag:s0], $0x3200  }
0x58: {  	[sflag:s0] =	ssyncset.done $0x0  }
0x59: {  	s16 =	simm.s32 $0x320;
	[sflag:s0] =	ssyncadd.s32 $0xFFFFCE00  }
0x5a: {  	[spmem:s2] =	stream.indirect.scatter.add.f32 [tilespmem:s28], [sflag:$0xA], $0x40, s16, s14, $0xb8;
	[tilespmem:$0x1E820] =	vst v63  }
0x5b: {  	_ =	swait.ge [sflag:s19], $0x3200  }
0x5c: {  	[sflag:s19] =	ssyncset.done $0x0  }
0x5d: {  	s22 =	simm.s32 $0x2BC0;
	s16 =	simm.s32 $0x0;
	[sflag:s19] =	ssyncadd.s32 $0xFFFFCE00  }
0x5e: {  	[tilespmem:s17], [sflag:$0x2] =	stream.indirect.gather [hbm4b:s4+s14], $0x40, s22, s14, $0xb8;
	[tilespmem:$0x1E820] =	vst v63  }
.LBB2_2:
0x5f: {  	_ =	swait.ge [sflag:s18], $0x3200  }
0x60: {  	s22 =	sshra.s32 s16, $0x2;
	[sflag:s18] =	ssyncset.done $0x0  }
0x61: {  	s5 =	sadd.s32 $0x3E8, s22;
	[sflag:s18] =	ssyncadd.s32 $0xFFFFCE00  }
0x62: {  	[spmem:s2] =	stream.indirect.scatter.add.f32 [tilespmem:s15], [sflag:$0x6], $0x40, s5, s14, $0xb8;
	[tilespmem:$0x1E820] =	vst v63  }
0x63: {  	_ =	swait.ge [sflag:s25], $0x3200  }
0x64: {  	[sflag:s25] =	ssyncset.done $0x0  }
0x65: {  	s6 =	sadd.s32 $0x2C88, s22;
	[sflag:s25] =	ssyncadd.s32 $0xFFFFCE00  }
0x66: {  	[tilespmem:s20], [sflag:$0x3] =	stream.indirect.gather [hbm4b:s4+s14], $0x40, s6, s14, $0xb8;
	[tilespmem:$0x1E820] =	vst v63  }
0x67: {  	_ =	swait.ge [sflag:s21], $0x3200  }
0x68: {  	[sflag:s21] =	ssyncset.done $0x0  }
0x69: {  	s6 =	sadd.s32 $0x4B0, s22;
	[sflag:s21] =	ssyncadd.s32 $0xFFFFCE00  }
0x6a: {  	[spmem:s2] =	stream.indirect.scatter.add.f32 [tilespmem:s17], [sflag:$0x7], $0x40, s6, s14, $0xb8;
	[tilespmem:$0x1E820] =	vst v63  }
0x6b: {  	_ =	swait.ge [sflag:s26], $0x3200  }
0x6c: {  	[sflag:s26] =	ssyncset.done $0x0  }
0x6d: {  	s6 =	sadd.s32 $0x2D50, s22;
	[sflag:s26] =	ssyncadd.s32 $0xFFFFCE00  }
0x6e: {  	[tilespmem:s23], [sflag:$0x4] =	stream.indirect.gather [hbm4b:s4+s14], $0x40, s6, s14, $0xb8;
	[tilespmem:$0x1E820] =	vst v63  }
0x6f: {  	_ =	swait.ge [sflag:s24], $0x3200  }
0x70: {  	[sflag:s24] =	ssyncset.done $0x0  }
0x71: {  	s6 =	sadd.s32 $0x578, s22;
	[sflag:s24] =	ssyncadd.s32 $0xFFFFCE00  }
0x72: {  	[spmem:s2] =	stream.indirect.scatter.add.f32 [tilespmem:s20], [sflag:$0x8], $0x40, s6, s14, $0xb8;
	[tilespmem:$0x1E820] =	vst v63  }
0x73: {  	_ =	swait.ge [sflag:s30], $0x3200  }
0x74: {  	[sflag:s30] =	ssyncset.done $0x0  }
0x75: {  	p0 =	seq.s32 s16, $0x7D00;
	s6 =	sadd.s32 $0x2E18, s22;
	[sflag:s30] =	ssyncadd.s32 $0xFFFFCE00  }
0x76: {  	[tilespmem:s28], [sflag:$0x5] =	stream.indirect.gather [hbm4b:s4+s14], $0x40, s6, s14, $0xb8;
	[tilespmem:$0x1E820] =	vst v63  }
.Ltmp2:
0x77: {  	_ = 	snop;
	(pc) =	sbr.rel @p0 .LBB2_4-.Ltmp2, $4  }
0x78: {  	_ =	swait.ge [sflag:s29], $0x3200  }
0x79: {  	[sflag:s29] =	ssyncset.done $0x0  }
0x7a: {  	s5 =	sadd.s32 $0x708, s22;
	s6 =	sadd.s32 $0x640, s22;
	[sflag:s29] =	ssyncadd.s32 $0xFFFFCE00  }
0x7b: {  	[spmem:s2] =	stream.indirect.scatter.add.f32 [tilespmem:s23], [sflag:$0x9], $0x40, s6, s14, $0xb8;
	[tilespmem:$0x1E820] =	vst v63  }
0x7c: {  	_ =	swait.ge [sflag:s31], $0x3200  }
0x7d: {  	[sflag:s31] =	ssyncset.done $0x0  }
0x7e: {  	s6 =	sadd.s32 $0x2EE0, s22;
	[sflag:s31] =	ssyncadd.s32 $0xFFFFCE00  }
0x7f: {  	[tilespmem:s15], [sflag:$0x1] =	stream.indirect.gather [hbm4b:s4+s14], $0x40, s6, s14, $0xb8;
	[tilespmem:$0x1E820] =	vst v63  }
0x80: {  	_ =	swait.ge [sflag:s0], $0x3200  }
0x81: {  	[sflag:s0] =	ssyncset.done $0x0  }
0x82: {  	[sflag:s0] =	ssyncadd.s32 $0xFFFFCE00  }
0x83: {  	[spmem:s2] =	stream.indirect.scatter.add.f32 [tilespmem:s28], [sflag:$0xA], $0x40, s5, s14, $0xb8;
	[tilespmem:$0x1E820] =	vst v63  }
.Ltmp3:
0x84: {  	_ = 	snop;
	(pc) =	sbr.rel .LBB2_2-.Ltmp3, $4  }
0x85: {  	_ =	swait.ge [sflag:s19], $0x3200  }
0x86: {  	[sflag:s19] =	ssyncset.done $0x0  }
0x87: {  	s22 =	sadd.s32 $0x2FA8, s22;
	s16 =	sadd.s32 $0xFA0, s16;
	[sflag:s19] =	ssyncadd.s32 $0xFFFFCE00  }
0x88: {  	[tilespmem:s17], [sflag:$0x2] =	stream.indirect.gather [hbm4b:s4+s14], $0x40, s22, s14, $0xb8;
	[tilespmem:$0x1E820] =	vst v63  }
.LBB2_5:
0x89: {  	_ =	sfence.sel $0x180000  }
0x8a: {  	[bflag:$0x0] =	sbarrier.arrive $0xFFFF  }
0x8b: {  	_ =	strace $0x9000004A  }
0x8c: {  	s0 =	stileid.u32;
	[bflag:$0x2] =	sbarrier.arrive $0xFFFF  }
0x8d: {  	p0 =	sne.s32 s0, $0x0;
	s0 =	rddreg [dreg:$0x2]  }
0x8e: {  	s0 =	sadd.s32 @!p0 $0x100000, s0  }
0x8f: {  	[sflag:s0] =	ssyncadd.tile.s32 @!p0 $0x1;
	_ =	shalt  }
.Lfunc_end2:
_tile_overlayer_lowered:
.L_overlay_start_2:
0x90: {  	(tag) =	ssettag $0x2  }
0x91: {  	s0 =	rddreg [dreg:$0x0];
	s2 =	stileid.u32  }
0x92: {  	s1 =	rddreg [dreg:$0x1];
	p0 =	sne.s32 s2, $0x0  }
0x93: {  	s3 =	rddreg [dreg:$0x2];
	[bflag:$0x3] =	sbarrier.arrive $0xFFFF;
	s2 =	simm.s32 @!p0 $0x1C0B  }
0x94: {  	[timem:s3], [sflag:s2] =	dma.local @!p0 [hbm:s0], s1  }
0x95: {  	s0 =	simm.s32 @!p0 $0xB  }
0x96: {  	_ =	swait.ge @!p0 [sflag:s0], s1  }
0x97: {  	s1 =	ssub.s32 @!p0 $0x0, s1;
	[sflag:s0] =	ssyncset.done @!p0 $0x0  }
0x98: {  	[sflag:s0] =	ssyncadd.s32 @!p0 s1  }
0x99: {  	[bflag:$0x3] =	sbarrier.arrive $0xFFFF  }
0x9a: {  	_ =	shalt  }

// kernel: kernel.15.cloned.1.call-start
scs
__scs_entry_jumppad:
0x0: {  	(pc) =	sbr.rel $0x88, $3  }
0x1: {  	(tag) =	ssettag $0x0;
	lr =	simm.s32 $0x1  }
0x2: {  	[smem:$0x3F9B] =	sst lr;
	_ =	strace $0xD0000000  }
0x3: {  	_ = 	snop  }
0x4: {  	_ = 	snop  }
0x5: {  	_ = 	snop  }
0x6: {  	_ = 	snop  }
0x7: {  	_ = 	snop  }
__scs_overlays_trampoline_lowered:
0x8: {  	[smem:$0x3FAA] =	sst s0  }
0x9: {  	[smem:$0x3FAB] =	sst s1  }
0xa: {  	[smem:$0x3FAC] =	sst s2  }
0xb: {  	[smem:$0x3FAD] =	sst s3  }
0xc: {  	[smem:$0x3FAE] =	sst s4  }
0xd: {  	[smem:$0x3FAF] =	sst s5  }
0xe: {  	[smem:$0x3FB0] =	sst s6  }
0xf: {  	[smem:$0x3FB1] =	sst s7  }
0x10: {  	[smem:$0x3FB2] =	sst s8  }
0x11: {  	[smem:$0x3FB3] =	sst s9;
	s0 =	simm.s32 @!p0 $0x0  }
0x12: {  	s1 =	sld [smem:$0x3F99];
	s0 =	simm.s32 @p0 $0x1  }
0x13: {  	[smem:$0x3FB4] =	sst s0;
	s0 =	simm.s32 @!p1 $0x0  }
0x14: {  	s2 =	sld [smem:$0x3F98];
	s0 =	simm.s32 @p1 $0x1  }
0x15: {  	[smem:$0x3FB5] =	sst s0;
	s0 =	simm.s32 @!p2 $0x0  }
0x16: {  	s3 =	sld [smem:$0x3FDB];
	s0 =	simm.s32 @p2 $0x1  }
0x17: {  	s4 =	simm.s32 $0x1BF5;
	[smem:$0x3FB7] =	sst s0  }
0x18: {  	s0 =	sld [smem:$0x3F9A];
	_ =	swait.ge [sflag:s4], $0x0  }
0x19: {  	s7 =	sld [smem:$0x3F9B]  }
0x1a: {  	s8 =	sadd.s32 $0xFFFFE003, lr  }
0x1b: {  	s9 =	sadd.s32 $0xFFFFFEF7, lr;
	s5 =	simm.s32 $0xFFFFFFFF;
	p2 =	slt.u32 s8, $0xFFFFF086  }
0x1c: {  	p1 =	slt.u32 s9, $0xF7A;
	s5 =	simm.s32 @!p2 $0x0  }
0x1d: {  	s5 =	simm.s32 @p1 $0x1;
	p0 =	seq.s32 s7, s2  }
0x1e: {  	s7 =	smul.u32 @!p0 $0xF7A, s2;
	p2 =	seq.s32 @!p0 s5, $0x0  }
0x1f: {  	s9 =	smul.u32 $0xF7A, s1;
	s8 =	simm.s32 @!p0 $0x1BF5;
	p2 =	por !p2, p0  }
0x20: {  	[sflag:s8] =	ssyncset.s32 @!p0 $0xFFFFF086;
	s6 =	sadd.s32 @!p0 s3, s7;
	s7 =	simm.s32 @!p0 $0x108  }
0x21: {  	s3 =	sadd.s32 s3, s9;
	s6 =	sadd.s32 @!p0 $0x88, s6;
	s7 =	simm.s32 @p2 $0x1082  }
0x22: {  	[simem:s7], [sflag:s8] =	dma.local @!p0 [hbm:s6], $0xF7A  }
0x23: {  	s9 =	sor.u32 $0xD0000000, s2;
	s6 =	simm.s32 $0x108;
	_ =	swait.ge @!p0 [sflag:s8], $0x0  }
0x24: {  	s3 =	sadd.s32 $0x88, s3;
	s6 =	simm.s32 @!p1 $0x1082;
	[sflag:s4] =	ssyncset.s32 $0xFFFFF086  }
0x25: {  	[simem:s6], [sflag:s4] =	dma.local [hbm:s3], $0xF7A  }
0x26: {  	[smem:$0x3F9B] =	sst s1;
	(tag) =	ssettag s2;
	_ =	strace s9  }
0x27: {  	s1 =	sld [smem:$0x3FAB]  }
0x28: {  	s2 =	sld [smem:$0x3FAC]  }
0x29: {  	s4 =	sld [smem:$0x3FAE]  }
0x2a: {  	p0 =	seq.s32 s5, $0x0;
	s5 =	sld [smem:$0x3FAF]  }
0x2b: {  	s6 =	sld [smem:$0x3FB0]  }
0x2c: {  	s7 =	sld [smem:$0x3FB1]  }
0x2d: {  	s3 =	simm.s32 $0x108;
	s8 =	sld [smem:$0x3FB2]  }
0x2e: {  	s3 =	simm.s32 @!p0 $0x1082;
	s9 =	sld [smem:$0x3FB3]  }
0x2f: {  	lr =	sadd.s32 s0, s3;
	s0 =	sld [smem:$0x3FAA]  }
0x30: {  	s3 =	sld [smem:$0x3FAD]  }
0x31: {  	[smem:$0x3FB6] =	sst s10  }
0x32: {  	s10 =	sld [smem:$0x3FB4];
	_ =	sdelay $0x3  }
0x33: {  	p0 =	seq.s32 s10, $0x1;
	s10 =	sld [smem:$0x3FB6];
	_ =	sdelay $0x3  }
0x34: {  	[smem:$0x3FB6] =	sst s10  }
0x35: {  	s10 =	sld [smem:$0x3FB5];
	_ =	sdelay $0x3  }
0x36: {  	p1 =	seq.s32 s10, $0x1;
	s10 =	sld [smem:$0x3FB6];
	_ =	sdelay $0x3  }
0x37: {  	[smem:$0x3FB6] =	sst s10  }
0x38: {  	s10 =	sld [smem:$0x3FB7]  }
0x39: {  	_ = 	snop;
	(pc) =	sbr.ind lr, $3  }
0x3a: {  	_ = 	snop  }
0x3b: {  	_ = 	snop  }
0x3c: {  	p2 =	seq.s32 s10, $0x1;
	s10 =	sld [smem:$0x3FB6]  }
0x3d: {  	_ =	shalt  }
0x3e: {  	_ =	shalt  }
0x3f: {  	_ =	shalt  }
0x40: {  	_ =	shalt  }
0x41: {  	_ =	shalt  }
0x42: {  	_ =	shalt  }
0x43: {  	_ =	shalt  }
0x44: {  	_ =	shalt  }
0x45: {  	_ =	shalt  }
0x46: {  	_ =	shalt  }
0x47: {  	_ =	shalt  }
0x48: {  	_ =	shalt  }
0x49: {  	_ =	shalt  }
0x4a: {  	_ =	shalt  }
0x4b: {  	_ =	shalt  }
0x4c: {  	_ =	shalt  }
0x4d: {  	_ =	shalt  }
0x4e: {  	_ =	shalt  }
0x4f: {  	_ =	shalt  }
0x50: {  	_ =	shalt  }
0x51: {  	_ =	shalt  }
0x52: {  	_ =	shalt  }
0x53: {  	_ =	shalt  }
0x54: {  	_ =	shalt  }
0x55: {  	_ =	shalt  }
0x56: {  	_ =	shalt  }
0x57: {  	_ =	shalt  }
0x58: {  	_ =	shalt  }
0x59: {  	_ =	shalt  }
0x5a: {  	_ =	shalt  }
0x5b: {  	_ =	shalt  }
0x5c: {  	_ =	shalt  }
0x5d: {  	_ =	shalt  }
0x5e: {  	_ =	shalt  }
0x5f: {  	_ =	shalt  }
0x60: {  	_ =	shalt  }
0x61: {  	_ =	shalt  }
0x62: {  	_ =	shalt  }
0x63: {  	_ =	shalt  }
0x64: {  	_ =	shalt  }
0x65: {  	_ =	shalt  }
0x66: {  	_ =	shalt  }
0x67: {  	_ =	shalt  }
0x68: {  	_ =	shalt  }
0x69: {  	_ =	shalt  }
0x6a: {  	_ =	shalt  }
0x6b: {  	_ =	shalt  }
0x6c: {  	_ =	shalt  }
0x6d: {  	_ =	shalt  }
0x6e: {  	_ =	shalt  }
0x6f: {  	_ =	shalt  }
0x70: {  	_ =	shalt  }
0x71: {  	_ =	shalt  }
0x72: {  	_ =	shalt  }
0x73: {  	_ =	shalt  }
0x74: {  	_ =	shalt  }
0x75: {  	_ =	shalt  }
0x76: {  	_ =	shalt  }
0x77: {  	_ =	shalt  }
0x78: {  	_ =	shalt  }
0x79: {  	_ =	shalt  }
0x7a: {  	_ =	shalt  }
0x7b: {  	_ =	shalt  }
0x7c: {  	_ =	shalt  }
0x7d: {  	_ =	shalt  }
0x7e: {  	_ =	shalt  }
0x7f: {  	_ =	shalt  }
0x80: {  	_ =	shalt  }
0x81: {  	_ =	shalt  }
0x82: {  	_ =	shalt  }
0x83: {  	_ =	shalt  }
0x84: {  	_ =	shalt  }
0x85: {  	_ =	shalt  }
0x86: {  	_ =	shalt  }
0x87: {  	_ =	shalt  }
.Lfunc_end0:
.L_simem_size_0:
called_computation.2_lowered:
.L_overlay_start_0:
0x88: {  	s2 =	sld [smem:$0x3FD9]  }
0x89: {  	s3 =	sld [smem:$0x3FFE];
	_ =	sdelay $0x1  }
0x8a: {  	s1 =	srdreg.scid  }
0x8b: {  	s0 =	sand.u32 $0x1, s1  }
0x8c: {  	s16 =	sshll.u32 s0, $0xA;
	s2 =	sadd.s32 s3, s2  }
0x8d: {  	s2 =	sadd.s32 s2, s16  }
0x8e: {  	[smem:$0x3FC2] =	sst s2  }
0x8f: {  	_ = 	snop  }
0x90: {  	(tm) =	ssettm $0x1  }
0x91: {  	s17 =	sld [smem:$0x3FFB];
	_ =	sdelay $0x3  }
0x92: {  	_ =	strace s17  }
0x93: {  	s2 =	sld [smem:$0x3FFC];
	_ =	sdelay $0x3  }
0x94: {  	_ =	strace s2  }
0x95: {  	s2 =	sld [smem:$0x3FFD];
	_ =	sdelay $0x3  }
0x96: {  	_ =	strace s2  }
0x97: {  	_ =	strace $0x8FFFFFFF  }
0x98: {  	s18 =	sld [smem:$0x3FDB];
	_ =	sdelay $0x1  }
0x99: {  	s19 =	simm.s32 $_scs_section_size  }
0x9a: {  	s4 =	simm.s32 $_size__tile_overlayer_lowered;
	s5 =	simm.s32 $_tile_overlayer_lowered  }
0x9b: {  	s22 =	simm.s32 $0x1BFF;
	s21 =	sshll.u32 s5, $0x1;
	s2 =	sadd.s32 s19, s18  }
0x9c: {  	s6 =	simm.s32 $0x0;
	s20 =	sshll.u32 s4, $0x1;
	s4 =	sadd.s32 s21, s2  }
0x9d: {  	[timem:s6], [sflag:s22] =	dma.local [hbm:s4], s20  }
0x9e: {  	_ =	swait.ge [sflag:s22], s20  }
0x9f: {  	s3 =	ssub.s32 $0x0, s20;
	[sflag:s22] =	ssyncset.done $0x0  }
0xa0: {  	[sflag:s22] =	ssyncadd.s32 s3;
	_ =	sdelay $0x1  }
0xa1: {  	s23 =	simm.s32 $0x1B8B  }
0xa2: {  	_ =	swait.ge [sflag:s23], $0x1  }
0xa3: {  	[sflag:s23] =	ssyncset.done $0x0  }
0xa4: {  	s25 =	simm.s32 $0x1B8E;
	s24 =	sld [smem:$0x3FFE];
	[sflag:s23] =	ssyncadd.s32 $0xFFFFFFFF  }
0xa5: {  	s26 =	simm.s32 $execute0_lowered;
	[smem:$0x3FD2] =	sst s25  }
0xa6: {  	s4 =	sshll.u32 s26, $0x1;
	_ =	strace $0x8000004C;
	[dreg:$0x1] =	wrdreg $0xFFFFFFFF  }
0xa7: {  	s28 =	simm.s32 $_size_execute0_lowered;
	s2 =	sadd.s32 s2, s4;
	[dreg:$0x0] =	wrdreg $0x0  }
0xa8: {  	s4 =	sshll.u32 s28, $0x1;
	[dreg:$0x2] =	wrdreg s2  }
0xa9: {  	[dreg:$0x3] =	wrdreg s4  }
0xaa: {  	[dreg:$0x4] =	wrdreg $0xC0  }
0xab: {  	_ =	task [dreg:s6], $0x5FFFF  }
0xac: {  	[dreg:$0x1] =	wrdreg $0xFFFFFFFF  }
0xad: {  	[dreg:$0x0] =	wrdreg $0x60  }
0xae: {  	[dreg:$0x2] =	wrdreg s24  }
0xaf: {  	[dreg:$0x3] =	wrdreg $0x8CA00  }
0xb0: {  	[dreg:$0x4] =	wrdreg $0x9  }
0xb1: {  	_ =	task.clear_ibuf [dreg:s6], $0x5FFFF;
	_ =	strace $0x9000004C  }
0xb2: {  	s29 =	simm.s32 $0x9;
	_ =	strace $0x8000004E  }
0xb3: {  	_ =	swait.ge [sflag:s29], $0x1  }
0xb4: {  	[sflag:s29] =	ssyncadd.s32 $0xFFFFFFFF  }
0xb5: {  	_ =	strace $0x9000004E  }
0xb6: {  	_ =	sfence  }
0xb7: {  	s30 =	sld [smem:$0x0];
	_ =	sdelay $0x2  }
0xb8: {  	s31 =	sshll.u32 s1, $0xD;
	s1 =	sshrl.u32 s1, $0x2  }
0xb9: {  	s3 =	sand.u32 $0x4000, s31;
	s1 =	sadd.s32 s1, s30  }
0xba: {  	s0 =	sor.u32 s3, s0;
	s1 =	sshll.u32 s1, $0x11  }
0xbb: {  	s0 =	sor.u32 s1, s0  }
0xbc: {  	s0 =	sadd.s32 $0x8F2B, s0  }
0xbd: {  	[sflag:s0] =	ssyncadd.remote.s32 $0x1  }
0xbe: {  	_ =	sfence.sel $0xFFFF  }
0xbf: {  	[dreg:$0x0] =	wrdreg $0xFFFFFFFF;
	(pc) =	sbr.abs _section_cstart, $3  }
0xc0: {  	[dreg:$0x1] =	wrdreg $0xFFFFFFFF  }
0xc1: {  	_ =	task.clear_ibuf [dreg:s6], $0x2FFFF;
	_ =	strace $0x9FFFFFFF  }
0xc2: {  	(tm) =	ssettm $0x7FFFFFFF  }
0xc3: {  	_ =	shalt  }
tec
execute0_lowered:
.L_overlay_start_1:
0x0: {  	(tag) =	ssettag $0x1  }
0x1: {  	s0 =	srdreg.scid  }
0x2: {  	s10 =	stileid.u32;
	s5 =	rddreg [dreg:$0x0]  }
0x3: {  	s2 =	rddreg [dreg:$0x1];
	s3 =	simm.s32 $0x0;
	s11 =	simm.s32 $0x2710  }
0x4: {  	s14 =	simm.s32 $0xC8;
	s15 =	simm.s32 $0x4E20;
	s17 =	simm.s32 $0x5AA0  }
0x5: {  	s18 =	simm.s32 $0x1;
	s20 =	simm.s32 $0x6720;
	s21 =	simm.s32 $0x2  }
0x6: {  	s23 =	simm.s32 $0x73A0;
	s28 =	simm.s32 $0x8020;
	s29 =	simm.s32 $0x4  }
0x7: {  	s31 =	simm.s32 $0x6;
	s19 =	simm.s32 $0x7;
	s30 =	simm.s32 $0xA  }
0x8: {  	s0 =	sand.u32 $0x1, s0;
	s7 =	smul.u32 $0x2800, s10;
	[smem:$0x7FF] =	sst s3  }
0x9: {  	s4 =	sadd.s32 $0x1A000, s5;
	s26 =	sshll.u32 s10, $0x6;
	s1 =	sshll.u32 s0, $0x4  }
0xa: {  	s6 =	smul.u32 $0x28000, s0;
	_ =	strace $0x8000004D;
	s0 =	ssub.s32 $0x2, s0  }
0xb: {  	s12 =	sor.u32 $0x1C0B, s26;
	s26 =	simm.s32 $0x9;
	s1 =	sor.u32 s10, s1  }
0xc: {  	s8 =	sshrl.u32 s7, $0x3;
	s9 =	sshrl.u32 s0, $0x1;
	s25 =	sadd.s32 s7, s2  }
0xd: {  	s10 =	simm.s32 $0xB;
	s1 =	smul.u32 $0x4E2, s1;
	s6 =	sadd.s32 s7, s6  }
0xe: {  	s8 =	sadd.s32 s8, s5;
	s0 =	ssub.s32 s0, s9;
	s13 =	sshrl.u32 s25, $0x3  }
.Ltmp0:
0xf: {  	s25 =	simm.s32 $0x8;
	s6 =	sshrl.u32 s6, $0x3;
	(pc) =	sbr.rel .LBB2_1-.Ltmp0, $4  }
0x10: {  	s7 =	sadd.s32 $0x15000, s8;
	s9 =	smax.u32 s0, $0x1;
	s1 =	sadd.s32 s1, s5  }
0x11: {  	s0 =	simm.s32 $0x5;
	s5 =	sadd.s32 s6, s5;
	s24 =	sadd.s32 $0xB200, s1  }
0x12: {  	s1 =	sadd.s32 $0x1400, s1;
	s8 =	sadd.s32 $0x1F000, s5;
	[dreg:$0x3] =	wrdreg s24  }
0x13: {  	[dreg:$0x4] =	wrdreg s1;
	s24 =	simm.s32 $0x3;
	s1 =	simm.s32 $0x0  }
.LBB2_4:
0x14: {  	_ =	swait.ge [sflag:s0], $0xC80  }
0x15: {  	[sflag:s0] =	ssyncset.done $0x0  }
0x16: {  	[sflag:s0] =	ssyncadd.s32 $0xFFFFF380  }
0x17: {  	[spmem:s2] =	stream.indirect.scatter.add.f32 [tilespmem:s28], [sflag:$0xA], $0x10, s5, s14, $0xb8;
	[tilespmem:$0xB4A0] =	vst v63  }
0x18: {  	_ =	swait.ge [sflag:s31], $0xC80  }
0x19: {  	[sflag:s31] =	ssyncset.done $0x0  }
0x1a: {  	[sflag:s31] =	ssyncadd.s32 $0xFFFFF380  }
0x1b: {  	_ =	swait.ge [sflag:s19], $0xC80  }
0x1c: {  	[sflag:s19] =	ssyncset.done $0x0  }
0x1d: {  	[sflag:s19] =	ssyncadd.s32 $0xFFFFF380  }
0x1e: {  	_ =	swait.ge [sflag:s25], $0xC80  }
0x1f: {  	[sflag:s25] =	ssyncset.done $0x0  }
0x20: {  	[sflag:s25] =	ssyncadd.s32 $0xFFFFF380  }
0x21: {  	_ =	swait.ge [sflag:s26], $0xC80  }
0x22: {  	[sflag:s26] =	ssyncset.done $0x0  }
0x23: {  	[sflag:s26] =	ssyncadd.s32 $0xFFFFF380  }
0x24: {  	_ =	swait.ge [sflag:s30], $0xC80  }
0x25: {  	s1 =	sadd.s32 $0x1, s1;
	[sflag:s30] =	ssyncset.done $0x0  }
0x26: {  	p0 =	sne.s32 s1, s9;
	[sflag:s30] =	ssyncadd.s32 $0xFFFFF380  }
.Ltmp1:
0x27: {  	[bflag:$0x0] =	sbarrier.arrive $0xFFFF;
	(pc) =	sbr.rel @!p0 .LBB2_5-.Ltmp1, $4  }
0x28: {  	[hbm:s8], [sflag:s12] =	dma.local [spmem:s13], $0x500  }
0x29: {  	_ =	swait.ge [sflag:s10], $0x500  }
0x2a: {  	[sflag:s10] =	ssyncset.done $0x0  }
0x2b: {  	[sflag:s10] =	ssyncadd.s32 $0xFFFFFB00  }
.LBB2_1:
0x2c: {  	s5 =	rddreg [dreg:$0x3]  }
0x2d: {  	[tilespmem:s3], [sflag:$0xB] =	stream.linear.gather [hbm4b:s5+s3], $0x2710, $0x38;
	[tilespmem:$0xB4A0] =	vst v63  }
0x2e: {  	_ =	swait.ge [sflag:s10], $0x2710  }
0x2f: {  	[sflag:s10] =	ssyncset.done $0x0  }
0x30: {  	s22 =	rddreg [dreg:$0x4];
	[sflag:s10] =	ssyncadd.s32 $0xFFFFD8F0  }
0x31: {  	[tilespmem:s11], [sflag:$0xB] =	stream.linear.gather [hbm4b:s22+s3], $0x2710, $0x38;
	[tilespmem:$0xB4A0] =	vst v63  }
0x32: {  	_ =	swait.ge [sflag:s10], $0x2710  }
0x33: {  	[sflag:s10] =	ssyncset.done $0x0  }
0x34: {  	[sflag:s10] =	ssyncadd.s32 $0xFFFFD8F0  }
0x35: {  	[spmem:s13], [sflag:s12] =	dma.local [hbm:s7], $0x500  }
0x36: {  	_ =	swait.ge [sflag:s10], $0x500  }
0x37: {  	[sflag:s10] =	ssyncset.done $0x0  }
0x38: {  	[sflag:s10] =	ssyncadd.s32 $0xFFFFFB00  }
0x39: {  	[bflag:$0x0] =	sbarrier.arrive $0xFFFF  }
0x3a: {  	[tilespmem:s15], [sflag:$0x1] =	stream.indirect.gather [hbm4b:s4+s14], $0x10, s11, s14, $0xb8;
	[tilespmem:$0xB4A0] =	vst v63  }
0x3b: {  	s6 =	simm.s32 $0x27D8  }
0x3c: {  	[tilespmem:s17], [sflag:$0x2] =	stream.indirect.gather [hbm4b:s4+s14], $0x10, s6, s14, $0xb8;
	[tilespmem:$0xB4A0] =	vst v63  }
0x3d: {  	_ =	swait.ge [sflag:s18], $0xC80  }
0x3e: {  	[sflag:s18] =	ssyncset.done $0x0  }
0x3f: {  	[sflag:s18] =	ssyncadd.s32 $0xFFFFF380  }
0x40: {  	[spmem:s2] =	stream.indirect.scatter.add.f32 [tilespmem:s15], [sflag:$0x6], $0x10, s3, s14, $0xb8;
	[tilespmem:$0xB4A0] =	vst v63  }
0x41: {  	s16 =	simm.s32 $0x28A0  }
0x42: {  	[tilespmem:s20], [sflag:$0x3] =	stream.indirect.gather [hbm4b:s4+s14], $0x10, s16, s14, $0xb8;
	[tilespmem:$0xB4A0] =	vst v63  }
0x43: {  	_ =	swait.ge [sflag:s21], $0xC80  }
0x44: {  	[sflag:s21] =	ssyncset.done $0x0  }
0x45: {  	[sflag:s21] =	ssyncadd.s32 $0xFFFFF380  }
0x46: {  	[spmem:s2] =	stream.indirect.scatter.add.f32 [tilespmem:s17], [sflag:$0x7], $0x10, s14, s14, $0xb8;
	[tilespmem:$0xB4A0] =	vst v63  }
0x47: {  	s22 =	simm.s32 $0x2968  }
0x48: {  	[tilespmem:s23], [sflag:$0x4] =	stream.indirect.gather [hbm4b:s4+s14], $0x10, s22, s14, $0xb8;
	[tilespmem:$0xB4A0] =	vst v63  }
0x49: {  	_ =	swait.ge [sflag:s24], $0xC80  }
0x4a: {  	[sflag:s24] =	ssyncset.done $0x0  }
0x4b: {  	s6 =	simm.s32 $0x190;
	[sflag:s24] =	ssyncadd.s32 $0xFFFFF380  }
0x4c: {  	[spmem:s2] =	stream.indirect.scatter.add.f32 [tilespmem:s20], [sflag:$0x8], $0x10, s6, s14, $0xb8;
	[tilespmem:$0xB4A0] =	vst v63  }
0x4d: {  	s16 =	simm.s32 $0x2A30  }
0x4e: {  	[tilespmem:s28], [sflag:$0x5] =	stream.indirect.gather [hbm4b:s4+s14], $0x10, s16, s14, $0xb8;
	[tilespmem:$0xB4A0] =	vst v63  }
0x4f: {  	_ =	swait.ge [sflag:s29], $0xC80  }
0x50: {  	[sflag:s29] =	ssyncset.done $0x0  }
0x51: {  	s22 =	simm.s32 $0x258;
	[sflag:s29] =	ssyncadd.s32 $0xFFFFF380  }
0x52: {  	[spmem:s2] =	stream.indirect.scatter.add.f32 [tilespmem:s23], [sflag:$0x9], $0x10, s22, s14, $0xb8;
	[tilespmem:$0xB4A0] =	vst v63  }
0x53: {  	_ =	swait.ge [sflag:s31], $0xC80  }
0x54: {  	[sflag:s31] =	ssyncset.done $0x0  }
0x55: {  	s6 =	simm.s32 $0x2AF8;
	[sflag:s31] =	ssyncadd.s32 $0xFFFFF380  }
0x56: {  	[tilespmem:s15], [sflag:$0x1] =	stream.indirect.gather [hbm4b:s4+s14], $0x10, s6, s14, $0xb8;
	[tilespmem:$0xB4A0] =	vst v63  }
0x57: {  	_ =	swait.ge [sflag:s0], $0xC80  }
0x58: {  	[sflag:s0] =	ssyncset.done $0x0  }
0x59: {  	s16 =	simm.s32 $0x320;
	[sflag:s0] =	ssyncadd.s32 $0xFFFFF380  }
0x5a: {  	[spmem:s2] =	stream.indirect.scatter.add.f32 [tilespmem:s28], [sflag:$0xA], $0x10, s16, s14, $0xb8;
	[tilespmem:$0xB4A0] =	vst v63  }
0x5b: {  	_ =	swait.ge [sflag:s19], $0xC80  }
0x5c: {  	[sflag:s19] =	ssyncset.done $0x0  }
0x5d: {  	s22 =	simm.s32 $0x2BC0;
	s16 =	simm.s32 $0x0;
	[sflag:s19] =	ssyncadd.s32 $0xFFFFF380  }
0x5e: {  	[tilespmem:s17], [sflag:$0x2] =	stream.indirect.gather [hbm4b:s4+s14], $0x10, s22, s14, $0xb8;
	[tilespmem:$0xB4A0] =	vst v63  }
.LBB2_2:
0x5f: {  	_ =	swait.ge [sflag:s18], $0xC80  }
0x60: {  	s22 =	sshra.s32 s16, $0x2;
	[sflag:s18] =	ssyncset.done $0x0  }
0x61: {  	s5 =	sadd.s32 $0x3E8, s22;
	[sflag:s18] =	ssyncadd.s32 $0xFFFFF380  }
0x62: {  	[spmem:s2] =	stream.indirect.scatter.add.f32 [tilespmem:s15], [sflag:$0x6], $0x10, s5, s14, $0xb8;
	[tilespmem:$0xB4A0] =	vst v63  }
0x63: {  	_ =	swait.ge [sflag:s25], $0xC80  }
0x64: {  	[sflag:s25] =	ssyncset.done $0x0  }
0x65: {  	s6 =	sadd.s32 $0x2C88, s22;
	[sflag:s25] =	ssyncadd.s32 $0xFFFFF380  }
0x66: {  	[tilespmem:s20], [sflag:$0x3] =	stream.indirect.gather [hbm4b:s4+s14], $0x10, s6, s14, $0xb8;
	[tilespmem:$0xB4A0] =	vst v63  }
0x67: {  	_ =	swait.ge [sflag:s21], $0xC80  }
0x68: {  	[sflag:s21] =	ssyncset.done $0x0  }
0x69: {  	s6 =	sadd.s32 $0x4B0, s22;
	[sflag:s21] =	ssyncadd.s32 $0xFFFFF380  }
0x6a: {  	[spmem:s2] =	stream.indirect.scatter.add.f32 [tilespmem:s17], [sflag:$0x7], $0x10, s6, s14, $0xb8;
	[tilespmem:$0xB4A0] =	vst v63  }
0x6b: {  	_ =	swait.ge [sflag:s26], $0xC80  }
0x6c: {  	[sflag:s26] =	ssyncset.done $0x0  }
0x6d: {  	s6 =	sadd.s32 $0x2D50, s22;
	[sflag:s26] =	ssyncadd.s32 $0xFFFFF380  }
0x6e: {  	[tilespmem:s23], [sflag:$0x4] =	stream.indirect.gather [hbm4b:s4+s14], $0x10, s6, s14, $0xb8;
	[tilespmem:$0xB4A0] =	vst v63  }
0x6f: {  	_ =	swait.ge [sflag:s24], $0xC80  }
0x70: {  	[sflag:s24] =	ssyncset.done $0x0  }
0x71: {  	s6 =	sadd.s32 $0x578, s22;
	[sflag:s24] =	ssyncadd.s32 $0xFFFFF380  }
0x72: {  	[spmem:s2] =	stream.indirect.scatter.add.f32 [tilespmem:s20], [sflag:$0x8], $0x10, s6, s14, $0xb8;
	[tilespmem:$0xB4A0] =	vst v63  }
0x73: {  	_ =	swait.ge [sflag:s30], $0xC80  }
0x74: {  	[sflag:s30] =	ssyncset.done $0x0  }
0x75: {  	p0 =	seq.s32 s16, $0x7D00;
	s6 =	sadd.s32 $0x2E18, s22;
	[sflag:s30] =	ssyncadd.s32 $0xFFFFF380  }
0x76: {  	[tilespmem:s28], [sflag:$0x5] =	stream.indirect.gather [hbm4b:s4+s14], $0x10, s6, s14, $0xb8;
	[tilespmem:$0xB4A0] =	vst v63  }
.Ltmp2:
0x77: {  	_ = 	snop;
	(pc) =	sbr.rel @p0 .LBB2_4-.Ltmp2, $4  }
0x78: {  	_ =	swait.ge [sflag:s29], $0xC80  }
0x79: {  	[sflag:s29] =	ssyncset.done $0x0  }
0x7a: {  	s5 =	sadd.s32 $0x708, s22;
	s6 =	sadd.s32 $0x640, s22;
	[sflag:s29] =	ssyncadd.s32 $0xFFFFF380  }
0x7b: {  	[spmem:s2] =	stream.indirect.scatter.add.f32 [tilespmem:s23], [sflag:$0x9], $0x10, s6, s14, $0xb8;
	[tilespmem:$0xB4A0] =	vst v63  }
0x7c: {  	_ =	swait.ge [sflag:s31], $0xC80  }
0x7d: {  	[sflag:s31] =	ssyncset.done $0x0  }
0x7e: {  	s6 =	sadd.s32 $0x2EE0, s22;
	[sflag:s31] =	ssyncadd.s32 $0xFFFFF380  }
0x7f: {  	[tilespmem:s15], [sflag:$0x1] =	stream.indirect.gather [hbm4b:s4+s14], $0x10, s6, s14, $0xb8;
	[tilespmem:$0xB4A0] =	vst v63  }
0x80: {  	_ =	swait.ge [sflag:s0], $0xC80  }
0x81: {  	[sflag:s0] =	ssyncset.done $0x0  }
0x82: {  	[sflag:s0] =	ssyncadd.s32 $0xFFFFF380  }
0x83: {  	[spmem:s2] =	stream.indirect.scatter.add.f32 [tilespmem:s28], [sflag:$0xA], $0x10, s5, s14, $0xb8;
	[tilespmem:$0xB4A0] =	vst v63  }
.Ltmp3:
0x84: {  	_ = 	snop;
	(pc) =	sbr.rel .LBB2_2-.Ltmp3, $4  }
0x85: {  	_ =	swait.ge [sflag:s19], $0xC80  }
0x86: {  	[sflag:s19] =	ssyncset.done $0x0  }
0x87: {  	s22 =	sadd.s32 $0x2FA8, s22;
	s16 =	sadd.s32 $0xFA0, s16;
	[sflag:s19] =	ssyncadd.s32 $0xFFFFF380  }
0x88: {  	[tilespmem:s17], [sflag:$0x2] =	stream.indirect.gather [hbm4b:s4+s14], $0x10, s22, s14, $0xb8;
	[tilespmem:$0xB4A0] =	vst v63  }
.LBB2_5:
0x89: {  	_ =	sfence.sel $0x180000  }
0x8a: {  	[bflag:$0x0] =	sbarrier.arrive $0xFFFF  }
0x8b: {  	_ =	strace $0x9000004D  }
0x8c: {  	s0 =	stileid.u32;
	[bflag:$0x2] =	sbarrier.arrive $0xFFFF  }
0x8d: {  	p0 =	sne.s32 s0, $0x0;
	s0 =	rddreg [dreg:$0x2]  }
0x8e: {  	s0 =	sadd.s32 @!p0 $0x100000, s0  }
0x8f: {  	[sflag:s0] =	ssyncadd.tile.s32 @!p0 $0x1;
	_ =	shalt  }
.Lfunc_end2:
_tile_overlayer_lowered:
.L_overlay_start_2:
0x90: {  	(tag) =	ssettag $0x2  }
0x91: {  	s0 =	rddreg [dreg:$0x0];
	s2 =	stileid.u32  }
0x92: {  	s1 =	rddreg [dreg:$0x1];
	p0 =	sne.s32 s2, $0x0  }
0x93: {  	s3 =	rddreg [dreg:$0x2];
	[bflag:$0x3] =	sbarrier.arrive $0xFFFF;
	s2 =	simm.s32 @!p0 $0x1C0B  }
0x94: {  	[timem:s3], [sflag:s2] =	dma.local @!p0 [hbm:s0], s1  }
0x95: {  	s0 =	simm.s32 @!p0 $0xB  }
0x96: {  	_ =	swait.ge @!p0 [sflag:s0], s1  }
0x97: {  	s1 =	ssub.s32 @!p0 $0x0, s1;
	[sflag:s0] =	ssyncset.done @!p0 $0x0  }
0x98: {  	[sflag:s0] =	ssyncadd.s32 @!p0 s1  }
0x99: {  	[bflag:$0x3] =	sbarrier.arrive $0xFFFF  }
0x9a: {  	_ =	shalt  }

// kernel: kernel.9.cloned.1.call-start
scs
__scs_entry_jumppad:
0x0: {  	(pc) =	sbr.rel $0x88, $3  }
0x1: {  	(tag) =	ssettag $0x0;
	lr =	simm.s32 $0x1  }
0x2: {  	[smem:$0x3F9B] =	sst lr;
	_ =	strace $0xD0000000  }
0x3: {  	_ = 	snop  }
0x4: {  	_ = 	snop  }
0x5: {  	_ = 	snop  }
0x6: {  	_ = 	snop  }
0x7: {  	_ = 	snop  }
__scs_overlays_trampoline_lowered:
0x8: {  	[smem:$0x3FAA] =	sst s0  }
0x9: {  	[smem:$0x3FAB] =	sst s1  }
0xa: {  	[smem:$0x3FAC] =	sst s2  }
0xb: {  	[smem:$0x3FAD] =	sst s3  }
0xc: {  	[smem:$0x3FAE] =	sst s4  }
0xd: {  	[smem:$0x3FAF] =	sst s5  }
0xe: {  	[smem:$0x3FB0] =	sst s6  }
0xf: {  	[smem:$0x3FB1] =	sst s7  }
0x10: {  	[smem:$0x3FB2] =	sst s8  }
0x11: {  	[smem:$0x3FB3] =	sst s9;
	s0 =	simm.s32 @!p0 $0x0  }
0x12: {  	s1 =	sld [smem:$0x3F99];
	s0 =	simm.s32 @p0 $0x1  }
0x13: {  	[smem:$0x3FB4] =	sst s0;
	s0 =	simm.s32 @!p1 $0x0  }
0x14: {  	s2 =	sld [smem:$0x3F98];
	s0 =	simm.s32 @p1 $0x1  }
0x15: {  	[smem:$0x3FB5] =	sst s0;
	s0 =	simm.s32 @!p2 $0x0  }
0x16: {  	s3 =	sld [smem:$0x3FDB];
	s0 =	simm.s32 @p2 $0x1  }
0x17: {  	s4 =	simm.s32 $0x1BF5;
	[smem:$0x3FB7] =	sst s0  }
0x18: {  	s0 =	sld [smem:$0x3F9A];
	_ =	swait.ge [sflag:s4], $0x0  }
0x19: {  	s7 =	sld [smem:$0x3F9B]  }
0x1a: {  	s8 =	sadd.s32 $0xFFFFE003, lr  }
0x1b: {  	s9 =	sadd.s32 $0xFFFFFEF7, lr;
	s5 =	simm.s32 $0xFFFFFFFF;
	p2 =	slt.u32 s8, $0xFFFFF086  }
0x1c: {  	p1 =	slt.u32 s9, $0xF7A;
	s5 =	simm.s32 @!p2 $0x0  }
0x1d: {  	s5 =	simm.s32 @p1 $0x1;
	p0 =	seq.s32 s7, s2  }
0x1e: {  	s7 =	smul.u32 @!p0 $0xF7A, s2;
	p2 =	seq.s32 @!p0 s5, $0x0  }
0x1f: {  	s9 =	smul.u32 $0xF7A, s1;
	s8 =	simm.s32 @!p0 $0x1BF5;
	p2 =	por !p2, p0  }
0x20: {  	[sflag:s8] =	ssyncset.s32 @!p0 $0xFFFFF086;
	s6 =	sadd.s32 @!p0 s3, s7;
	s7 =	simm.s32 @!p0 $0x108  }
0x21: {  	s3 =	sadd.s32 s3, s9;
	s6 =	sadd.s32 @!p0 $0x88, s6;
	s7 =	simm.s32 @p2 $0x1082  }
0x22: {  	[simem:s7], [sflag:s8] =	dma.local @!p0 [hbm:s6], $0xF7A  }
0x23: {  	s9 =	sor.u32 $0xD0000000, s2;
	s6 =	simm.s32 $0x108;
	_ =	swait.ge @!p0 [sflag:s8], $0x0  }
0x24: {  	s3 =	sadd.s32 $0x88, s3;
	s6 =	simm.s32 @!p1 $0x1082;
	[sflag:s4] =	ssyncset.s32 $0xFFFFF086  }
0x25: {  	[simem:s6], [sflag:s4] =	dma.local [hbm:s3], $0xF7A  }
0x26: {  	[smem:$0x3F9B] =	sst s1;
	(tag) =	ssettag s2;
	_ =	strace s9  }
0x27: {  	s1 =	sld [smem:$0x3FAB]  }
0x28: {  	s2 =	sld [smem:$0x3FAC]  }
0x29: {  	s4 =	sld [smem:$0x3FAE]  }
0x2a: {  	p0 =	seq.s32 s5, $0x0;
	s5 =	sld [smem:$0x3FAF]  }
0x2b: {  	s6 =	sld [smem:$0x3FB0]  }
0x2c: {  	s7 =	sld [smem:$0x3FB1]  }
0x2d: {  	s3 =	simm.s32 $0x108;
	s8 =	sld [smem:$0x3FB2]  }
0x2e: {  	s3 =	simm.s32 @!p0 $0x1082;
	s9 =	sld [smem:$0x3FB3]  }
0x2f: {  	lr =	sadd.s32 s0, s3;
	s0 =	sld [smem:$0x3FAA]  }
0x30: {  	s3 =	sld [smem:$0x3FAD]  }
0x31: {  	[smem:$0x3FB6] =	sst s10  }
0x32: {  	s10 =	sld [smem:$0x3FB4];
	_ =	sdelay $0x3  }
0x33: {  	p0 =	seq.s32 s10, $0x1;
	s10 =	sld [smem:$0x3FB6];
	_ =	sdelay $0x3  }
0x34: {  	[smem:$0x3FB6] =	sst s10  }
0x35: {  	s10 =	sld [smem:$0x3FB5];
	_ =	sdelay $0x3  }
0x36: {  	p1 =	seq.s32 s10, $0x1;
	s10 =	sld [smem:$0x3FB6];
	_ =	sdelay $0x3  }
0x37: {  	[smem:$0x3FB6] =	sst s10  }
0x38: {  	s10 =	sld [smem:$0x3FB7]  }
0x39: {  	_ = 	snop;
	(pc) =	sbr.ind lr, $3  }
0x3a: {  	_ = 	snop  }
0x3b: {  	_ = 	snop  }
0x3c: {  	p2 =	seq.s32 s10, $0x1;
	s10 =	sld [smem:$0x3FB6]  }
0x3d: {  	_ =	shalt  }
0x3e: {  	_ =	shalt  }
0x3f: {  	_ =	shalt  }
0x40: {  	_ =	shalt  }
0x41: {  	_ =	shalt  }
0x42: {  	_ =	shalt  }
0x43: {  	_ =	shalt  }
0x44: {  	_ =	shalt  }
0x45: {  	_ =	shalt  }
0x46: {  	_ =	shalt  }
0x47: {  	_ =	shalt  }
0x48: {  	_ =	shalt  }
0x49: {  	_ =	shalt  }
0x4a: {  	_ =	shalt  }
0x4b: {  	_ =	shalt  }
0x4c: {  	_ =	shalt  }
0x4d: {  	_ =	shalt  }
0x4e: {  	_ =	shalt  }
0x4f: {  	_ =	shalt  }
0x50: {  	_ =	shalt  }
0x51: {  	_ =	shalt  }
0x52: {  	_ =	shalt  }
0x53: {  	_ =	shalt  }
0x54: {  	_ =	shalt  }
0x55: {  	_ =	shalt  }
0x56: {  	_ =	shalt  }
0x57: {  	_ =	shalt  }
0x58: {  	_ =	shalt  }
0x59: {  	_ =	shalt  }
0x5a: {  	_ =	shalt  }
0x5b: {  	_ =	shalt  }
0x5c: {  	_ =	shalt  }
0x5d: {  	_ =	shalt  }
0x5e: {  	_ =	shalt  }
0x5f: {  	_ =	shalt  }
0x60: {  	_ =	shalt  }
0x61: {  	_ =	shalt  }
0x62: {  	_ =	shalt  }
0x63: {  	_ =	shalt  }
0x64: {  	_ =	shalt  }
0x65: {  	_ =	shalt  }
0x66: {  	_ =	shalt  }
0x67: {  	_ =	shalt  }
0x68: {  	_ =	shalt  }
0x69: {  	_ =	shalt  }
0x6a: {  	_ =	shalt  }
0x6b: {  	_ =	shalt  }
0x6c: {  	_ =	shalt  }
0x6d: {  	_ =	shalt  }
0x6e: {  	_ =	shalt  }
0x6f: {  	_ =	shalt  }
0x70: {  	_ =	shalt  }
0x71: {  	_ =	shalt  }
0x72: {  	_ =	shalt  }
0x73: {  	_ =	shalt  }
0x74: {  	_ =	shalt  }
0x75: {  	_ =	shalt  }
0x76: {  	_ =	shalt  }
0x77: {  	_ =	shalt  }
0x78: {  	_ =	shalt  }
0x79: {  	_ =	shalt  }
0x7a: {  	_ =	shalt  }
0x7b: {  	_ =	shalt  }
0x7c: {  	_ =	shalt  }
0x7d: {  	_ =	shalt  }
0x7e: {  	_ =	shalt  }
0x7f: {  	_ =	shalt  }
0x80: {  	_ =	shalt  }
0x81: {  	_ =	shalt  }
0x82: {  	_ =	shalt  }
0x83: {  	_ =	shalt  }
0x84: {  	_ =	shalt  }
0x85: {  	_ =	shalt  }
0x86: {  	_ =	shalt  }
0x87: {  	_ =	shalt  }
.Lfunc_end0:
.L_simem_size_0:
called_computation_lowered:
.L_overlay_start_0:
0x88: {  	s2 =	sld [smem:$0x3FD9]  }
0x89: {  	s3 =	sld [smem:$0x3FFE];
	_ =	sdelay $0x1  }
0x8a: {  	s1 =	srdreg.scid  }
0x8b: {  	s0 =	sand.u32 $0x1, s1  }
0x8c: {  	s17 =	sshll.u32 s0, $0xA;
	s2 =	sadd.s32 s3, s2  }
0x8d: {  	s2 =	sadd.s32 s2, s17  }
0x8e: {  	[smem:$0x3FC2] =	sst s2  }
0x8f: {  	_ = 	snop  }
0x90: {  	s2 =	sld [smem:$0x3FD0];
	(tm) =	ssettm $0x1  }
0x91: {  	s18 =	sld [smem:$0x3FFB];
	_ =	sdelay $0x3  }
0x92: {  	_ =	strace s18  }
0x93: {  	s3 =	sld [smem:$0x3FFC];
	_ =	sdelay $0x3  }
0x94: {  	_ =	strace s3  }
0x95: {  	s3 =	sld [smem:$0x3FFD];
	_ =	sdelay $0x3  }
0x96: {  	_ =	strace s3  }
0x97: {  	_ =	strace $0x8FFFFFFF  }
0x98: {  	s19 =	sld [smem:$0x3FDB];
	_ =	sdelay $0x1  }
0x99: {  	s4 =	simm.s32 $_scs_section_size  }
0x9a: {  	s5 =	simm.s32 $_size__tile_overlayer_lowered;
	s6 =	simm.s32 $_tile_overlayer_lowered  }
0x9b: {  	s22 =	simm.s32 $0x1BFF;
	s21 =	sshll.u32 s6, $0x1;
	s3 =	sadd.s32 s4, s19  }
0x9c: {  	s7 =	simm.s32 $0x0;
	s20 =	sshll.u32 s5, $0x1;
	s5 =	sadd.s32 s21, s3  }
0x9d: {  	[timem:s7], [sflag:s22] =	dma.local [hbm:s5], s20  }
0x9e: {  	_ =	swait.ge [sflag:s22], s20  }
0x9f: {  	s4 =	ssub.s32 $0x0, s20;
	[sflag:s22] =	ssyncset.done $0x0  }
0xa0: {  	[sflag:s22] =	ssyncadd.s32 s4;
	_ =	sdelay $0x1  }
0xa1: {  	s23 =	simm.s32 $0x1B8B  }
0xa2: {  	_ =	swait.ge [sflag:s23], $0x1  }
0xa3: {  	[sflag:s23] =	ssyncset.done $0x0  }
0xa4: {  	s25 =	simm.s32 $0x1B8E;
	s24 =	sld [smem:$0x3FFE];
	[sflag:s23] =	ssyncadd.s32 $0xFFFFFFFF  }
0xa5: {  	s26 =	simm.s32 $execute0_lowered;
	[smem:$0x3FD2] =	sst s25  }
0xa6: {  	s5 =	sshll.u32 s26, $0x1;
	_ =	strace $0x80000046;
	[dreg:$0x1] =	wrdreg $0xFFFFFFFF  }
0xa7: {  	s28 =	simm.s32 $_size_execute0_lowered;
	s3 =	sadd.s32 s3, s5;
	[dreg:$0x0] =	wrdreg $0x0  }
0xa8: {  	s5 =	sshll.u32 s28, $0x1;
	[dreg:$0x2] =	wrdreg s3  }
0xa9: {  	[dreg:$0x3] =	wrdreg s5  }
0xaa: {  	[dreg:$0x4] =	wrdreg $0xC0  }
0xab: {  	_ =	task [dreg:s7], $0x5FFFF  }
0xac: {  	[dreg:$0x1] =	wrdreg $0xFFFFFFFF  }
0xad: {  	[dreg:$0x0] =	wrdreg $0x60  }
0xae: {  	[dreg:$0x2] =	wrdreg s2  }
0xaf: {  	[dreg:$0x3] =	wrdreg s24  }
0xb0: {  	[dreg:$0x4] =	wrdreg $0x33900  }
0xb1: {  	[dreg:$0x5] =	wrdreg $0x9  }
0xb2: {  	_ =	task.clear_ibuf [dreg:s7], $0x6FFFF;
	_ =	strace $0x90000046  }
0xb3: {  	s29 =	simm.s32 $0x9;
	_ =	strace $0x80000048  }
0xb4: {  	_ =	swait.ge [sflag:s29], $0x1  }
0xb5: {  	[sflag:s29] =	ssyncadd.s32 $0xFFFFFFFF  }
0xb6: {  	_ =	strace $0x90000048  }
0xb7: {  	_ =	sfence  }
0xb8: {  	s30 =	sld [smem:$0x0];
	_ =	sdelay $0x2  }
0xb9: {  	s31 =	sshll.u32 s1, $0xD;
	s1 =	sshrl.u32 s1, $0x2  }
0xba: {  	s3 =	sand.u32 $0x4000, s31;
	s1 =	sadd.s32 s1, s30  }
0xbb: {  	s0 =	sor.u32 s3, s0;
	s1 =	sshll.u32 s1, $0x11  }
0xbc: {  	s0 =	sor.u32 s1, s0  }
0xbd: {  	s0 =	sadd.s32 $0x8F2B, s0  }
0xbe: {  	[sflag:s0] =	ssyncadd.remote.s32 $0x1  }
0xbf: {  	_ =	sfence.sel $0xFFFF  }
0xc0: {  	[dreg:$0x0] =	wrdreg $0xFFFFFFFF;
	(pc) =	sbr.abs _section_cstart, $3  }
0xc1: {  	[dreg:$0x1] =	wrdreg $0xFFFFFFFF  }
0xc2: {  	_ =	task.clear_ibuf [dreg:s7], $0x2FFFF;
	_ =	strace $0x9FFFFFFF  }
0xc3: {  	(tm) =	ssettm $0x7FFFFFFF  }
tec
execute0_lowered:
.L_overlay_start_1:
0x0: {  	(tag) =	ssettag $0x1  }
0x1: {  	s1 =	rddreg [dreg:$0x0]  }
0x2: {  	s6 =	rddreg [dreg:$0x1]  }
0x3: {  	s0 =	srdreg.scid;
	s3 =	rddreg [dreg:$0x2]  }
0x4: {  	s4 =	simm.s32 $0x0;
	s13 =	simm.s32 $0xC8;
	s14 =	simm.s32 $0x1  }
0x5: {  	s15 =	simm.s32 $0x0;
	s5 =	sand.u32 $0x1, s0;
	s0 =	stileid.u32  }
0x6: {  	[smem:$0x7FF] =	sst s4;
	s2 =	sshll.u32 s5, $0x4;
	s8 =	smul.u32 $0x2800, s0  }
0x7: {  	s9 =	smul.u32 $0x28000, s5;
	s5 =	ssub.s32 $0x2, s5;
	s2 =	sor.u32 s0, s2  }
0x8: {  	s31 =	sshll.u32 s0, $0x6;
	s11 =	sshrl.u32 s5, $0x1;
	s7 =	smul.u32 $0x4E2, s2  }
0x9: {  	s2 =	rddreg [dreg:$0x3];
	_ =	strace $0x80000047;
	s10 =	sshrl.u32 s8, $0x3  }
0xa: {  	s9 =	sadd.s32 s8, s9;
	s11 =	ssub.s32 s5, s11;
	s12 =	sadd.s32 s8, s3  }
0xb: {  	s10 =	sadd.s32 s10, s6;
	s9 =	sshrl.u32 s9, $0x3;
	s8 =	smax.u32 s11, $0x1  }
0xc: {  	s11 =	sor.u32 $0x1C02, s31;
	s12 =	sshrl.u32 s12, $0x3;
	s7 =	sadd.s32 s7, s6  }
0xd: {  	s9 =	sadd.s32 s9, s6;
	s6 =	sadd.s32 $0x15000, s10;
	s10 =	simm.s32 $0x2710  }
0xe: {  	s5 =	sadd.s32 $0xB200, s7;
	s7 =	sadd.s32 $0x1A000, s9;
	s9 =	simm.s32 $0x2  }
.LBB2_1:
0xf: {  	[tilespmem:s4], [sflag:$0x2] =	stream.linear.gather [hbm4b:s5+s4], $0x2710, $0x38;
	[tilespmem:$0x5B90] =	vst v63  }
0x10: {  	_ =	swait.ge [sflag:s9], $0x2710  }
0x11: {  	[sflag:s9] =	ssyncset.done $0x0  }
0x12: {  	[sflag:s9] =	ssyncadd.s32 $0xFFFFD8F0  }
0x13: {  	[tilespmem:s10], [sflag:$0x2] =	stream.linear.gather [hbm4b:s1+s4], $0xC80, $0x38;
	[tilespmem:$0x5B90] =	vst v63  }
0x14: {  	_ =	swait.ge [sflag:s9], $0xC80  }
0x15: {  	[sflag:s9] =	ssyncset.done $0x0  }
0x16: {  	[sflag:s9] =	ssyncadd.s32 $0xFFFFF380  }
0x17: {  	[spmem:s12], [sflag:s11] =	dma.local [hbm:s6], $0x500  }
0x18: {  	_ =	swait.ge [sflag:s9], $0x500  }
0x19: {  	[sflag:s9] =	ssyncset.done $0x0  }
0x1a: {  	p0 =	por $0x1, $0x1;
	[sflag:s9] =	ssyncadd.s32 $0xFFFFFB00  }
0x1b: {  	s18 =	simm.s32 @!p0 $0x1;
	[bflag:$0x0] =	sbarrier.arrive $0xFFFF  }
0x1c: {  	[spmem:s3] =	stream.indirect.scatter.add.f32 [tilespmem:s10], [sflag:$0x1], $0x10, s4, s13, $0xb8;
	[tilespmem:$0x5B90] =	vst v63  }
0x1d: {  	_ =	swait.ge @!p0 [sflag:s18], $0xC80  }
0x1e: {  	s16 =	simm.s32 $0x1;
	s17 =	simm.s32 $0x0;
	[sflag:s18] =	ssyncset.done @!p0 $0x0  }
.LBB2_2:
0x1f: {  	[sflag:s18] =	ssyncadd.s32 @!p0 $0xFFFFF380  }
0x20: {  	s17 =	sadd.s32 $0xC8, s17;
	s18 =	smov.u32 s16;
	s16 =	sadd.s32 $0x1, s16  }
0x21: {  	p1 =	sne.s32 s16, $0x32  }
0x22: {  	[spmem:s3] =	stream.indirect.scatter.add.f32 [tilespmem:s10], [sflag:$0x1], $0x10, s17, s13, $0xb8;
	[tilespmem:$0x5B90] =	vst v63  }
.Ltmp0:
0x23: {  	_ = 	snop;
	(pc) =	sbr.rel @p1 .LBB2_2-.Ltmp0, $4  }
0x24: {  	p0 =	slt.u32 s18, $0x8  }
0x25: {  	s18 =	simm.s32 @!p0 $0x1  }
0x26: {  	_ =	swait.ge @!p0 [sflag:s18], $0xC80  }
0x27: {  	[sflag:s18] =	ssyncset.done @!p0 $0x0  }
0x28: {  	[sflag:s18] =	ssyncadd.s32 @!p0 $0xFFFFF380  }
0x29: {  	_ =	swait.ge [sflag:s14], $0xC80  }
0x2a: {  	[sflag:s14] =	ssyncset.done $0x0  }
0x2b: {  	[sflag:s14] =	ssyncadd.s32 $0xFFFFF380  }
0x2c: {  	_ =	swait.ge [sflag:s14], $0xC80  }
0x2d: {  	[sflag:s14] =	ssyncset.done $0x0  }
0x2e: {  	[sflag:s14] =	ssyncadd.s32 $0xFFFFF380  }
0x2f: {  	_ =	swait.ge [sflag:s14], $0xC80  }
0x30: {  	[sflag:s14] =	ssyncset.done $0x0  }
0x31: {  	[sflag:s14] =	ssyncadd.s32 $0xFFFFF380  }
0x32: {  	_ =	swait.ge [sflag:s14], $0xC80  }
0x33: {  	[sflag:s14] =	ssyncset.done $0x0  }
0x34: {  	[sflag:s14] =	ssyncadd.s32 $0xFFFFF380  }
0x35: {  	_ =	swait.ge [sflag:s14], $0xC80  }
0x36: {  	[sflag:s14] =	ssyncset.done $0x0  }
0x37: {  	[sflag:s14] =	ssyncadd.s32 $0xFFFFF380  }
0x38: {  	_ =	swait.ge [sflag:s14], $0xC80  }
0x39: {  	[sflag:s14] =	ssyncset.done $0x0  }
0x3a: {  	[sflag:s14] =	ssyncadd.s32 $0xFFFFF380  }
0x3b: {  	_ =	swait.ge [sflag:s14], $0xC80  }
0x3c: {  	[sflag:s14] =	ssyncset.done $0x0  }
0x3d: {  	[sflag:s14] =	ssyncadd.s32 $0xFFFFF380  }
0x3e: {  	_ =	swait.ge [sflag:s14], $0xC80  }
0x3f: {  	s15 =	sadd.s32 $0x1, s15;
	[sflag:s14] =	ssyncset.done $0x0  }
0x40: {  	p0 =	sne.s32 s15, s8;
	[sflag:s14] =	ssyncadd.s32 $0xFFFFF380  }
.Ltmp1:
0x41: {  	[bflag:$0x0] =	sbarrier.arrive $0xFFFF;
	(pc) =	sbr.rel @p0 .LBB2_1-.Ltmp1, $4  }
0x42: {  	[hbm:s7], [sflag:s11] =	dma.local [spmem:s12], $0x500  }
0x43: {  	_ =	swait.ge [sflag:s9], $0x500  }
0x44: {  	[sflag:s9] =	ssyncset.done $0x0  }
0x45: {  	[sflag:s9] =	ssyncadd.s32 $0xFFFFFB00  }
0x46: {  	_ =	sfence.sel $0x180000  }
0x47: {  	[bflag:$0x0] =	sbarrier.arrive $0xFFFF  }
0x48: {  	p0 =	sne.s32 s0, $0x0;
	_ =	strace $0x90000047  }
0x49: {  	s0 =	sadd.s32 @!p0 $0x100000, s2;
	[bflag:$0x2] =	sbarrier.arrive $0xFFFF  }
0x4a: {  	[sflag:s0] =	ssyncadd.tile.s32 @!p0 $0x1;
	_ =	shalt  }
.Lfunc_end2:
_tile_overlayer_lowered:
.L_overlay_start_2:
0x4b: {  	(tag) =	ssettag $0x2  }
0x4c: {  	s0 =	rddreg [dreg:$0x0];
	s2 =	stileid.u32  }
0x4d: {  	s1 =	rddreg [dreg:$0x1];
	p0 =	sne.s32 s2, $0x0  }
0x4e: {  	s3 =	rddreg [dreg:$0x2];
	[bflag:$0x3] =	sbarrier.arrive $0xFFFF;
	s2 =	simm.s32 @!p0 $0x1C02  }
0x4f: {  	[timem:s3], [sflag:s2] =	dma.local @!p0 [hbm:s0], s1  }
0x50: {  	s0 =	simm.s32 @!p0 $0x2  }
0x51: {  	_ =	swait.ge @!p0 [sflag:s0], s1  }
0x52: {  	s1 =	ssub.s32 @!p0 $0x0, s1;
	[sflag:s0] =	ssyncset.done @!p0 $0x0  }
0x53: {  	[sflag:s0] =	ssyncadd.s32 @!p0 s1  }
0x54: {  	[bflag:$0x3] =	sbarrier.arrive $0xFFFF  }
0x55: {  	_ =	shalt  }

</sc_bundles>
